<compile_context>
chip_gen: v7x
topology: tpu7x:2x2x1
jax: 0.10.2.dev20260603
libtpu: 0.0.44.dev20260713+nightly
codegen_flags: <defaults>
</compile_context>

<pallas_src>
import functools

import jax
import jax.numpy as jnp
from jax import lax
from jax.experimental import pallas as pl
from jax.experimental.pallas import tpu as pltpu
from jax.experimental.pallas import tpu_sc as plsc

_NC = 2
_NS = 16
_NW = _NC * _NS


def _make_sc_gather(B, D, C, nbuf=3):
    b_per_w = B // _NW
    n_chunks = b_per_w // C
    assert B % (_NW * C) == 0
    n_main = n_chunks - (nbuf - 1)
    assert n_main % nbuf == 0
    mesh = plsc.VectorSubcoreMesh(core_axis_name="c", subcore_axis_name="s")

    @functools.partial(
        pl.kernel,
        mesh=mesh,
        out_type=jax.ShapeDtypeStruct((B, D), jnp.float32),
        scratch_types=[
            pltpu.VMEM((b_per_w,), jnp.int32),
            pltpu.VMEM((nbuf, C, D), jnp.float32),
        ]
        + [pltpu.SemaphoreType.DMA] * (2 * nbuf),
    )
    def gather_rows(idx_hbm, table_hbm, out_hbm, idx_v, rows_v, *sems):
        sem_g, sem_w = sems[:nbuf], sems[nbuf:]
        wid = lax.axis_index("s") * _NC + lax.axis_index("c")
        base = wid * b_per_w
        pltpu.sync_copy(idx_hbm.at[pl.ds(base, b_per_w)], idx_v)

        def gather(i, b):
            return pltpu.make_async_copy(
                table_hbm.at[idx_v.at[pl.ds(i * C, C)]], rows_v.at[b], sem_g[b]
            )

        def write(i, b):
            return pltpu.make_async_copy(
                rows_v.at[b], out_hbm.at[pl.ds(base + i * C, C)], sem_w[b]
            )

        for b in range(nbuf - 1):
            gather(b, b).start()

        def step(i, b, b2, refill):
            gather(i, b).wait()
            write(i, b).start()
            if refill:

                @pl.when(i >= 1)
                def _():
                    write(i - 1, b2).wait()

                gather(i + nbuf - 1, b2).start()

        def round_body(g, carry):
            i0 = g * nbuf
            for r in range(nbuf):
                step(i0 + r, r, (r + nbuf - 1) % nbuf, True)
            return carry

        lax.fori_loop(0, n_main // nbuf, round_body, 0)

        for i in range(n_main, n_chunks):
            b = i % nbuf
            gather(i, b).wait()
            write(i, b).start()
            write(i - 1, (i - 1) % nbuf).wait()
        write(n_chunks - 1, (n_chunks - 1) % nbuf).wait()

    return gather_rows


def kernel(position_ids, pos_enc):
    b, s = position_ids.shape
    _, d = pos_enc.shape
    idx = position_ids.reshape(b * s).astype(jnp.int32)
    out = _make_sc_gather(b * s, d, 8, nbuf=3)(idx, pos_enc)
    return out.reshape(b, s, d)

# --- scband reference (transcript-rebuilt; emitter-appended) ---
"""Pipeline reference for scband-fixed-positional-encoding-45122926412255 (READ-ONLY COPY).

The authoritative reference and input builder live on the scoring server;
editing this copy changes nothing except your own understanding.
"""

import math
import jax, jax.numpy as jnp
import numpy as np

HIDDEN_SIZE = 4096
MAX_SEQ_LEN = 8192
BATCH = 4
SEQ_LEN = 8192


def _build_pos_enc(hidden_size, max_sequence_length):
    position = jnp.arange(0.0, max_sequence_length, dtype=jnp.float32)[:, None]
    coef = -math.log(10000.0) / hidden_size
    div_term = jnp.exp(coef * jnp.arange(0.0, hidden_size, 2, dtype=jnp.float32))
    pos_enc = jnp.zeros((max_sequence_length, hidden_size), dtype=jnp.float32)
    pos_enc = pos_enc.at[:, 0::2].set(jnp.sin(position * div_term))
    pos_enc = pos_enc.at[:, 1::2].set(jnp.cos(position * div_term))
    pos_enc = pos_enc / math.sqrt(hidden_size)
    return pos_enc


def setup_inputs(seed: int = 0) -> dict:
    key = jax.random.key(seed)
    position_ids = jax.random.randint(key, (BATCH, SEQ_LEN), 0, MAX_SEQ_LEN, dtype=jnp.int64 if jax.config.jax_enable_x64 else jnp.int32)
    pos_enc = _build_pos_enc(HIDDEN_SIZE, MAX_SEQ_LEN)
    return {"position_ids": position_ids, "pos_enc": pos_enc}


def reference(position_ids, pos_enc):
    # torch.embedding(self.pos_enc, position_ids) == gather rows of pos_enc
    embeddings = jnp.take(pos_enc, position_ids, axis=0)
    return embeddings

if __name__ == "__main__":
    import jax
    _d = setup_inputs()
    print(jax.jit(kernel)(*tuple(_d.values())))

</pallas_src>

<mosaic_0001>
#map = affine_map<(d0, d1) -> (0)>
#map1 = affine_map<(d0, d1) -> (0, 0)>
module attributes {stable_mosaic.version = 14 : i64} {
  func.func @gather_rows(%arg0: i32, %arg1: i32, %arg2: memref<32768xi32, #tpu.memory_space<hbm>>, %arg3: memref<8192x4096xf32, #tpu.memory_space<hbm>>, %arg4: memref<32768x4096xf32, #tpu.memory_space<hbm>>, %arg5: memref<1024xi32, #tpu.memory_space<vmem>>, %arg6: memref<3x8x4096xf32, #tpu.memory_space<vmem>>, %arg7: memref<!tpu.dma_semaphore, #tpu.memory_space<semaphore_mem>>, %arg8: memref<!tpu.dma_semaphore, #tpu.memory_space<semaphore_mem>>, %arg9: memref<!tpu.dma_semaphore, #tpu.memory_space<semaphore_mem>>, %arg10: memref<!tpu.dma_semaphore, #tpu.memory_space<semaphore_mem>>, %arg11: memref<!tpu.dma_semaphore, #tpu.memory_space<semaphore_mem>>, %arg12: memref<!tpu.dma_semaphore, #tpu.memory_space<semaphore_mem>>) attributes {dimension_semantics = [#tpu.dimension_semantics<core_parallel>, #tpu.dimension_semantics<subcore_parallel>], iteration_bounds = array<i64: 2, 16>, scalar_prefetch = 0 : i64, scratch_operands = 8 : i64, tpu.core_type = #tpu.core_type<sc_vector_subcore>, window_params = [{transform_indices = #map}, {transform_indices = #map1}, {transform_indices = #map1}]} {
    %mul3A = arith.constant 2 : i32
    %mul3A_0 = arith.muli %arg1, %mul3A : i32
    %add3A = arith.addi %mul3A_0, %arg0 : i32
    %mul3A_1 = arith.constant 1024 : i32
    %mul3A_2 = arith.muli %add3A, %mul3A_1 : i32
    "tpu.region"() ({
      %run_scoped3A = tpu.sem_alloc : memref<!tpu.dma_semaphore, #tpu.memory_space<semaphore_mem>>
      %dma_start3A_121 = tpu.memref_slice %arg2[%mul3A_2] : memref<32768xi32, #tpu.memory_space<hbm>> -> memref<1024xi32, #tpu.memory_space<hbm>>
      %dma_start3A_122 = tpu.memref_slice %arg2[%mul3A_2] : memref<32768xi32, #tpu.memory_space<hbm>> -> memref<1024xi32, #tpu.memory_space<hbm>>
      tpu.enqueue_dma source(%dma_start3A_122 : memref<1024xi32, #tpu.memory_space<hbm>>) target(%arg5 : memref<1024xi32, #tpu.memory_space<vmem>>) target_semaphore(%run_scoped3A : memref<!tpu.dma_semaphore, #tpu.memory_space<semaphore_mem>>)
      %dma_wait3A_123 = tpu.memref_slice %arg2[%mul3A_2] : memref<32768xi32, #tpu.memory_space<hbm>> -> memref<1024xi32, #tpu.memory_space<hbm>>
      %dma_wait3A_124 = tpu.memref_slice %arg2[%mul3A_2] : memref<32768xi32, #tpu.memory_space<hbm>> -> memref<1024xi32, #tpu.memory_space<hbm>>
      tpu.wait_dma2 semaphore(%run_scoped3A : memref<!tpu.dma_semaphore, #tpu.memory_space<semaphore_mem>>) src(%dma_wait3A_124 : memref<1024xi32, #tpu.memory_space<hbm>>) dst(%arg5 : memref<1024xi32, #tpu.memory_space<vmem>>)
      tpu.yield
    }) : () -> ()
    %dma_start3A = arith.constant 0 : i32
    %dma_start3A_3 = arith.constant 0 : i32
    %dma_start3A_4 = arith.constant 0 : i32
    %dma_start3A_5 = tpu.memref_slice %arg6[%dma_start3A, %dma_start3A_3, %dma_start3A_4] : memref<3x8x4096xf32, #tpu.memory_space<vmem>> -> memref<1x8x4096xf32, #tpu.memory_space<vmem>>
    %dma_start3A_6 = tpu.memref_squeeze %dma_start3A_5 : memref<1x8x4096xf32, #tpu.memory_space<vmem>> -> memref<8x4096xf32, #tpu.memory_space<vmem>>
    %dma_start3A_7 = arith.constant 0 : i32
    %dma_start3A_8 = tpu.memref_slice %arg5[%dma_start3A_7] : memref<1024xi32, #tpu.memory_space<vmem>> -> memref<8xi32, #tpu.memory_space<vmem>>
    %dma_start3A_9 = arith.constant 0 : i32
    %dma_start3A_10 = arith.constant 0 : i32
    %dma_start3A_11 = tpu.memref_slice %arg3[%dma_start3A_9, %dma_start3A_10] : memref<8192x4096xf32, #tpu.memory_space<hbm>> -> memref<8192x4096xf32, #tpu.memory_space<hbm>>
    tpu.enqueue_indirect_dma source(%dma_start3A_11 : memref<8192x4096xf32, #tpu.memory_space<hbm>>) target(%dma_start3A_6 : memref<8x4096xf32, #tpu.memory_space<vmem>>) offsets(%dma_start3A_8 : memref<8xi32, #tpu.memory_space<vmem>>) semaphore(%arg7 : memref<!tpu.dma_semaphore, #tpu.memory_space<semaphore_mem>>)
    %dma_start3A_12 = arith.constant 1 : i32
    %dma_start3A_13 = arith.constant 0 : i32
    %dma_start3A_14 = arith.constant 0 : i32
    %dma_start3A_15 = tpu.memref_slice %arg6[%dma_start3A_12, %dma_start3A_13, %dma_start3A_14] : memref<3x8x4096xf32, #tpu.memory_space<vmem>> -> memref<1x8x4096xf32, #tpu.memory_space<vmem>>
    %dma_start3A_16 = tpu.memref_squeeze %dma_start3A_15 : memref<1x8x4096xf32, #tpu.memory_space<vmem>> -> memref<8x4096xf32, #tpu.memory_space<vmem>>
    %dma_start3A_17 = arith.constant 8 : i32
    %dma_start3A_18 = tpu.memref_slice %arg5[%dma_start3A_17] : memref<1024xi32, #tpu.memory_space<vmem>> -> memref<8xi32, #tpu.memory_space<vmem>>
    %dma_start3A_19 = arith.constant 0 : i32
    %dma_start3A_20 = arith.constant 0 : i32
    %dma_start3A_21 = tpu.memref_slice %arg3[%dma_start3A_19, %dma_start3A_20] : memref<8192x4096xf32, #tpu.memory_space<hbm>> -> memref<8192x4096xf32, #tpu.memory_space<hbm>>
    tpu.enqueue_indirect_dma source(%dma_start3A_21 : memref<8192x4096xf32, #tpu.memory_space<hbm>>) target(%dma_start3A_16 : memref<8x4096xf32, #tpu.memory_space<vmem>>) offsets(%dma_start3A_18 : memref<8xi32, #tpu.memory_space<vmem>>) semaphore(%arg8 : memref<!tpu.dma_semaphore, #tpu.memory_space<semaphore_mem>>)
    %scan3A = arith.constant 0 : i32
    %scan3A_22 = arith.constant 0 : i32
    %scan3A_23 = arith.constant 42 : i32
    %scan3A_24 = arith.addi %scan3A_22, %scan3A_23 : i32
    %scan3A_25 = arith.constant 1 : i32
    scf.for %scan3A_121 = %scan3A_22 to %scan3A_24 step %scan3A_25  : i32 {
      %mul3A_122 = arith.constant 3 : i32
      %mul3A_123 = arith.muli %scan3A_121, %mul3A_122 : i32
      %add3A_124 = arith.constant 0 : i32
      %add3A_125 = arith.addi %mul3A_123, %add3A_124 : i32
      %mul3A_126 = arith.constant 8 : i32
      %mul3A_127 = arith.muli %add3A_125, %mul3A_126 : i32
      %dma_wait3A_128 = arith.constant 0 : i32
      %dma_wait3A_129 = arith.constant 0 : i32
      %dma_wait3A_130 = arith.constant 0 : i32
      %dma_wait3A_131 = tpu.memref_slice %arg6[%dma_wait3A_128, %dma_wait3A_129, %dma_wait3A_130] : memref<3x8x4096xf32, #tpu.memory_space<vmem>> -> memref<1x8x4096xf32, #tpu.memory_space<vmem>>
      %dma_wait3A_132 = tpu.memref_squeeze %dma_wait3A_131 : memref<1x8x4096xf32, #tpu.memory_space<vmem>> -> memref<8x4096xf32, #tpu.memory_space<vmem>>
      %dma_wait3A_133 = tpu.memref_slice %arg5[%mul3A_127] : memref<1024xi32, #tpu.memory_space<vmem>> -> memref<8xi32, #tpu.memory_space<vmem>>
      %dma_wait3A_134 = arith.constant 0 : i32
      %dma_wait3A_135 = arith.constant 0 : i32
      %dma_wait3A_136 = tpu.memref_slice %arg3[%dma_wait3A_134, %dma_wait3A_135] : memref<8192x4096xf32, #tpu.memory_space<hbm>> -> memref<8192x4096xf32, #tpu.memory_space<hbm>>
      tpu.wait_indirect_dma semaphore(%arg7 : memref<!tpu.dma_semaphore, #tpu.memory_space<semaphore_mem>>) src(%dma_wait3A_136 : memref<8192x4096xf32, #tpu.memory_space<hbm>>) dst(%dma_wait3A_132 : memref<8x4096xf32, #tpu.memory_space<vmem>>)
      %mul3A_137 = arith.constant 8 : i32
      %mul3A_138 = arith.muli %add3A_125, %mul3A_137 : i32
      %add3A_139 = arith.addi %mul3A_2, %mul3A_138 : i32
      %dma_start3A_140 = arith.constant 0 : i32
      %dma_start3A_141 = arith.constant 0 : i32
      %dma_start3A_142 = arith.constant 0 : i32
      %dma_start3A_143 = tpu.memref_slice %arg6[%dma_start3A_140, %dma_start3A_141, %dma_start3A_142] : memref<3x8x4096xf32, #tpu.memory_space<vmem>> -> memref<1x8x4096xf32, #tpu.memory_space<vmem>>
      %dma_start3A_144 = tpu.memref_squeeze %dma_start3A_143 : memref<1x8x4096xf32, #tpu.memory_space<vmem>> -> memref<8x4096xf32, #tpu.memory_space<vmem>>
      %dma_start3A_145 = arith.constant 0 : i32
      %dma_start3A_146 = tpu.memref_slice %arg4[%add3A_139, %dma_start3A_145] : memref<32768x4096xf32, #tpu.memory_space<hbm>> -> memref<8x4096xf32, #tpu.memory_space<hbm>>
      %dma_start3A_147 = arith.constant 0 : i32
      %dma_start3A_148 = tpu.memref_slice %arg4[%add3A_139, %dma_start3A_147] : memref<32768x4096xf32, #tpu.memory_space<hbm>> -> memref<8x4096xf32, #tpu.memory_space<hbm>>
      %dma_start3A_149 = arith.constant 0 : i32
      %dma_start3A_150 = arith.constant 0 : i32
      %dma_start3A_151 = tpu.memref_slice %arg6[%dma_start3A_140, %dma_start3A_149, %dma_start3A_150] : memref<3x8x4096xf32, #tpu.memory_space<vmem>> -> memref<1x8x4096xf32, #tpu.memory_space<vmem>>
      %dma_start3A_152 = tpu.memref_squeeze %dma_start3A_151 : memref<1x8x4096xf32, #tpu.memory_space<vmem>> -> memref<8x4096xf32, #tpu.memory_space<vmem>>
      tpu.enqueue_dma source(%dma_start3A_152 : memref<8x4096xf32, #tpu.memory_space<vmem>>) target(%dma_start3A_148 : memref<8x4096xf32, #tpu.memory_space<hbm>>) target_semaphore(%arg10 : memref<!tpu.dma_semaphore, #tpu.memory_space<semaphore_mem>>)
      %ge3A = arith.constant 1 : i32
      %ge3A_153 = arith.cmpi sge, %add3A_125, %ge3A : i32
      %convert_element_type3A = arith.extui %ge3A_153 : i1 to i32
      %cond3A = arith.constant 0 : i32
      %cond3A_154 = arith.cmpi ne, %convert_element_type3A, %cond3A : i32
      scf.if %cond3A_154 {
        %sub3A_267 = arith.constant 1 : i32
        %sub3A_268 = arith.subi %add3A_125, %sub3A_267 : i32
        %mul3A_269 = arith.constant 8 : i32
        %mul3A_270 = arith.muli %sub3A_268, %mul3A_269 : i32
        %add3A_271 = arith.addi %mul3A_2, %mul3A_270 : i32
        %dma_wait3A_272 = arith.constant 2 : i32
        %dma_wait3A_273 = arith.constant 0 : i32
        %dma_wait3A_274 = arith.constant 0 : i32
        %dma_wait3A_275 = tpu.memref_slice %arg6[%dma_wait3A_272, %dma_wait3A_273, %dma_wait3A_274] : memref<3x8x4096xf32, #tpu.memory_space<vmem>> -> memref<1x8x4096xf32, #tpu.memory_space<vmem>>
        %dma_wait3A_276 = tpu.memref_squeeze %dma_wait3A_275 : memref<1x8x4096xf32, #tpu.memory_space<vmem>> -> memref<8x4096xf32, #tpu.memory_space<vmem>>
        %dma_wait3A_277 = arith.constant 0 : i32
        %dma_wait3A_278 = tpu.memref_slice %arg4[%add3A_271, %dma_wait3A_277] : memref<32768x4096xf32, #tpu.memory_space<hbm>> -> memref<8x4096xf32, #tpu.memory_space<hbm>>
        %dma_wait3A_279 = arith.constant 0 : i32
        %dma_wait3A_280 = tpu.memref_slice %arg4[%add3A_271, %dma_wait3A_279] : memref<32768x4096xf32, #tpu.memory_space<hbm>> -> memref<8x4096xf32, #tpu.memory_space<hbm>>
        %dma_wait3A_281 = arith.constant 0 : i32
        %dma_wait3A_282 = arith.constant 0 : i32
        %dma_wait3A_283 = tpu.memref_slice %arg6[%dma_wait3A_272, %dma_wait3A_281, %dma_wait3A_282] : memref<3x8x4096xf32, #tpu.memory_space<vmem>> -> memref<1x8x4096xf32, #tpu.memory_space<vmem>>
        %dma_wait3A_284 = tpu.memref_squeeze %dma_wait3A_283 : memref<1x8x4096xf32, #tpu.memory_space<vmem>> -> memref<8x4096xf32, #tpu.memory_space<vmem>>
        tpu.wait_dma2 semaphore(%arg12 : memref<!tpu.dma_semaphore, #tpu.memory_space<semaphore_mem>>) src(%dma_wait3A_284 : memref<8x4096xf32, #tpu.memory_space<vmem>>) dst(%dma_wait3A_280 : memref<8x4096xf32, #tpu.memory_space<hbm>>)
      } else {
      }
      %add3A_155 = arith.constant 3 : i32
      %add3A_156 = arith.addi %add3A_125, %add3A_155 : i32
      %sub3A = arith.constant 1 : i32
      %sub3A_157 = arith.subi %add3A_156, %sub3A : i32
      %mul3A_158 = arith.constant 8 : i32
      %mul3A_159 = arith.muli %sub3A_157, %mul3A_158 : i32
      %dma_start3A_160 = arith.constant 2 : i32
      %dma_start3A_161 = arith.constant 0 : i32
      %dma_start3A_162 = arith.constant 0 : i32
      %dma_start3A_163 = tpu.memref_slice %arg6[%dma_start3A_160, %dma_start3A_161, %dma_start3A_162] : memref<3x8x4096xf32, #tpu.memory_space<vmem>> -> memref<1x8x4096xf32, #tpu.memory_space<vmem>>
      %dma_start3A_164 = tpu.memref_squeeze %dma_start3A_163 : memref<1x8x4096xf32, #tpu.memory_space<vmem>> -> memref<8x4096xf32, #tpu.memory_space<vmem>>
      %dma_start3A_165 = tpu.memref_slice %arg5[%mul3A_159] : memref<1024xi32, #tpu.memory_space<vmem>> -> memref<8xi32, #tpu.memory_space<vmem>>
      %dma_start3A_166 = arith.constant 0 : i32
      %dma_start3A_167 = arith.constant 0 : i32
      %dma_start3A_168 = tpu.memref_slice %arg3[%dma_start3A_166, %dma_start3A_167] : memref<8192x4096xf32, #tpu.memory_space<hbm>> -> memref<8192x4096xf32, #tpu.memory_space<hbm>>
      tpu.enqueue_indirect_dma source(%dma_start3A_168 : memref<8192x4096xf32, #tpu.memory_space<hbm>>) target(%dma_start3A_164 : memref<8x4096xf32, #tpu.memory_space<vmem>>) offsets(%dma_start3A_165 : memref<8xi32, #tpu.memory_space<vmem>>) semaphore(%arg9 : memref<!tpu.dma_semaphore, #tpu.memory_space<semaphore_mem>>)
      %add3A_169 = arith.constant 1 : i32
      %add3A_170 = arith.addi %mul3A_123, %add3A_169 : i32
      %mul3A_171 = arith.constant 8 : i32
      %mul3A_172 = arith.muli %add3A_170, %mul3A_171 : i32
      %dma_wait3A_173 = arith.constant 1 : i32
      %dma_wait3A_174 = arith.constant 0 : i32
      %dma_wait3A_175 = arith.constant 0 : i32
      %dma_wait3A_176 = tpu.memref_slice %arg6[%dma_wait3A_173, %dma_wait3A_174, %dma_wait3A_175] : memref<3x8x4096xf32, #tpu.memory_space<vmem>> -> memref<1x8x4096xf32, #tpu.memory_space<vmem>>
      %dma_wait3A_177 = tpu.memref_squeeze %dma_wait3A_176 : memref<1x8x4096xf32, #tpu.memory_space<vmem>> -> memref<8x4096xf32, #tpu.memory_space<vmem>>
      %dma_wait3A_178 = tpu.memref_slice %arg5[%mul3A_172] : memref<1024xi32, #tpu.memory_space<vmem>> -> memref<8xi32, #tpu.memory_space<vmem>>
      %dma_wait3A_179 = arith.constant 0 : i32
      %dma_wait3A_180 = arith.constant 0 : i32
      %dma_wait3A_181 = tpu.memref_slice %arg3[%dma_wait3A_179, %dma_wait3A_180] : memref<8192x4096xf32, #tpu.memory_space<hbm>> -> memref<8192x4096xf32, #tpu.memory_space<hbm>>
      tpu.wait_indirect_dma semaphore(%arg8 : memref<!tpu.dma_semaphore, #tpu.memory_space<semaphore_mem>>) src(%dma_wait3A_181 : memref<8192x4096xf32, #tpu.memory_space<hbm>>) dst(%dma_wait3A_177 : memref<8x4096xf32, #tpu.memory_space<vmem>>)
      %mul3A_182 = arith.constant 8 : i32
      %mul3A_183 = arith.muli %add3A_170, %mul3A_182 : i32
      %add3A_184 = arith.addi %mul3A_2, %mul3A_183 : i32
      %dma_start3A_185 = arith.constant 1 : i32
      %dma_start3A_186 = arith.constant 0 : i32
      %dma_start3A_187 = arith.constant 0 : i32
      %dma_start3A_188 = tpu.memref_slice %arg6[%dma_start3A_185, %dma_start3A_186, %dma_start3A_187] : memref<3x8x4096xf32, #tpu.memory_space<vmem>> -> memref<1x8x4096xf32, #tpu.memory_space<vmem>>
      %dma_start3A_189 = tpu.memref_squeeze %dma_start3A_188 : memref<1x8x4096xf32, #tpu.memory_space<vmem>> -> memref<8x4096xf32, #tpu.memory_space<vmem>>
      %dma_start3A_190 = arith.constant 0 : i32
      %dma_start3A_191 = tpu.memref_slice %arg4[%add3A_184, %dma_start3A_190] : memref<32768x4096xf32, #tpu.memory_space<hbm>> -> memref<8x4096xf32, #tpu.memory_space<hbm>>
      %dma_start3A_192 = arith.constant 0 : i32
      %dma_start3A_193 = tpu.memref_slice %arg4[%add3A_184, %dma_start3A_192] : memref<32768x4096xf32, #tpu.memory_space<hbm>> -> memref<8x4096xf32, #tpu.memory_space<hbm>>
      %dma_start3A_194 = arith.constant 0 : i32
      %dma_start3A_195 = arith.constant 0 : i32
      %dma_start3A_196 = tpu.memref_slice %arg6[%dma_start3A_185, %dma_start3A_194, %dma_start3A_195] : memref<3x8x4096xf32, #tpu.memory_space<vmem>> -> memref<1x8x4096xf32, #tpu.memory_space<vmem>>
      %dma_start3A_197 = tpu.memref_squeeze %dma_start3A_196 : memref<1x8x4096xf32, #tpu.memory_space<vmem>> -> memref<8x4096xf32, #tpu.memory_space<vmem>>
      tpu.enqueue_dma source(%dma_start3A_197 : memref<8x4096xf32, #tpu.memory_space<vmem>>) target(%dma_start3A_193 : memref<8x4096xf32, #tpu.memory_space<hbm>>) target_semaphore(%arg11 : memref<!tpu.dma_semaphore, #tpu.memory_space<semaphore_mem>>)
      %ge3A_198 = arith.constant 1 : i32
      %ge3A_199 = arith.cmpi sge, %add3A_170, %ge3A_198 : i32
      %convert_element_type3A_200 = arith.extui %ge3A_199 : i1 to i32
      %cond3A_201 = arith.constant 0 : i32
      %cond3A_202 = arith.cmpi ne, %convert_element_type3A_200, %cond3A_201 : i32
      scf.if %cond3A_202 {
        %sub3A_267 = arith.constant 1 : i32
        %sub3A_268 = arith.subi %add3A_170, %sub3A_267 : i32
        %mul3A_269 = arith.constant 8 : i32
        %mul3A_270 = arith.muli %sub3A_268, %mul3A_269 : i32
        %add3A_271 = arith.addi %mul3A_2, %mul3A_270 : i32
        %dma_wait3A_272 = arith.constant 0 : i32
        %dma_wait3A_273 = arith.constant 0 : i32
        %dma_wait3A_274 = arith.constant 0 : i32
        %dma_wait3A_275 = tpu.memref_slice %arg6[%dma_wait3A_272, %dma_wait3A_273, %dma_wait3A_274] : memref<3x8x4096xf32, #tpu.memory_space<vmem>> -> memref<1x8x4096xf32, #tpu.memory_space<vmem>>
        %dma_wait3A_276 = tpu.memref_squeeze %dma_wait3A_275 : memref<1x8x4096xf32, #tpu.memory_space<vmem>> -> memref<8x4096xf32, #tpu.memory_space<vmem>>
        %dma_wait3A_277 = arith.constant 0 : i32
        %dma_wait3A_278 = tpu.memref_slice %arg4[%add3A_271, %dma_wait3A_277] : memref<32768x4096xf32, #tpu.memory_space<hbm>> -> memref<8x4096xf32, #tpu.memory_space<hbm>>
        %dma_wait3A_279 = arith.constant 0 : i32
        %dma_wait3A_280 = tpu.memref_slice %arg4[%add3A_271, %dma_wait3A_279] : memref<32768x4096xf32, #tpu.memory_space<hbm>> -> memref<8x4096xf32, #tpu.memory_space<hbm>>
        %dma_wait3A_281 = arith.constant 0 : i32
        %dma_wait3A_282 = arith.constant 0 : i32
        %dma_wait3A_283 = tpu.memref_slice %arg6[%dma_wait3A_272, %dma_wait3A_281, %dma_wait3A_282] : memref<3x8x4096xf32, #tpu.memory_space<vmem>> -> memref<1x8x4096xf32, #tpu.memory_space<vmem>>
        %dma_wait3A_284 = tpu.memref_squeeze %dma_wait3A_283 : memref<1x8x4096xf32, #tpu.memory_space<vmem>> -> memref<8x4096xf32, #tpu.memory_space<vmem>>
        tpu.wait_dma2 semaphore(%arg10 : memref<!tpu.dma_semaphore, #tpu.memory_space<semaphore_mem>>) src(%dma_wait3A_284 : memref<8x4096xf32, #tpu.memory_space<vmem>>) dst(%dma_wait3A_280 : memref<8x4096xf32, #tpu.memory_space<hbm>>)
      } else {
      }
      %add3A_203 = arith.constant 3 : i32
      %add3A_204 = arith.addi %add3A_170, %add3A_203 : i32
      %sub3A_205 = arith.constant 1 : i32
      %sub3A_206 = arith.subi %add3A_204, %sub3A_205 : i32
      %mul3A_207 = arith.constant 8 : i32
      %mul3A_208 = arith.muli %sub3A_206, %mul3A_207 : i32
      %dma_start3A_209 = arith.constant 0 : i32
      %dma_start3A_210 = arith.constant 0 : i32
      %dma_start3A_211 = arith.constant 0 : i32
      %dma_start3A_212 = tpu.memref_slice %arg6[%dma_start3A_209, %dma_start3A_210, %dma_start3A_211] : memref<3x8x4096xf32, #tpu.memory_space<vmem>> -> memref<1x8x4096xf32, #tpu.memory_space<vmem>>
      %dma_start3A_213 = tpu.memref_squeeze %dma_start3A_212 : memref<1x8x4096xf32, #tpu.memory_space<vmem>> -> memref<8x4096xf32, #tpu.memory_space<vmem>>
      %dma_start3A_214 = tpu.memref_slice %arg5[%mul3A_208] : memref<1024xi32, #tpu.memory_space<vmem>> -> memref<8xi32, #tpu.memory_space<vmem>>
      %dma_start3A_215 = arith.constant 0 : i32
      %dma_start3A_216 = arith.constant 0 : i32
      %dma_start3A_217 = tpu.memref_slice %arg3[%dma_start3A_215, %dma_start3A_216] : memref<8192x4096xf32, #tpu.memory_space<hbm>> -> memref<8192x4096xf32, #tpu.memory_space<hbm>>
      tpu.enqueue_indirect_dma source(%dma_start3A_217 : memref<8192x4096xf32, #tpu.memory_space<hbm>>) target(%dma_start3A_213 : memref<8x4096xf32, #tpu.memory_space<vmem>>) offsets(%dma_start3A_214 : memref<8xi32, #tpu.memory_space<vmem>>) semaphore(%arg7 : memref<!tpu.dma_semaphore, #tpu.memory_space<semaphore_mem>>)
      %add3A_218 = arith.constant 2 : i32
      %add3A_219 = arith.addi %mul3A_123, %add3A_218 : i32
      %mul3A_220 = arith.constant 8 : i32
      %mul3A_221 = arith.muli %add3A_219, %mul3A_220 : i32
      %dma_wait3A_222 = arith.constant 2 : i32
      %dma_wait3A_223 = arith.constant 0 : i32
      %dma_wait3A_224 = arith.constant 0 : i32
      %dma_wait3A_225 = tpu.memref_slice %arg6[%dma_wait3A_222, %dma_wait3A_223, %dma_wait3A_224] : memref<3x8x4096xf32, #tpu.memory_space<vmem>> -> memref<1x8x4096xf32, #tpu.memory_space<vmem>>
      %dma_wait3A_226 = tpu.memref_squeeze %dma_wait3A_225 : memref<1x8x4096xf32, #tpu.memory_space<vmem>> -> memref<8x4096xf32, #tpu.memory_space<vmem>>
      %dma_wait3A_227 = tpu.memref_slice %arg5[%mul3A_221] : memref<1024xi32, #tpu.memory_space<vmem>> -> memref<8xi32, #tpu.memory_space<vmem>>
      %dma_wait3A_228 = arith.constant 0 : i32
      %dma_wait3A_229 = arith.constant 0 : i32
      %dma_wait3A_230 = tpu.memref_slice %arg3[%dma_wait3A_228, %dma_wait3A_229] : memref<8192x4096xf32, #tpu.memory_space<hbm>> -> memref<8192x4096xf32, #tpu.memory_space<hbm>>
      tpu.wait_indirect_dma semaphore(%arg9 : memref<!tpu.dma_semaphore, #tpu.memory_space<semaphore_mem>>) src(%dma_wait3A_230 : memref<8192x4096xf32, #tpu.memory_space<hbm>>) dst(%dma_wait3A_226 : memref<8x4096xf32, #tpu.memory_space<vmem>>)
      %mul3A_231 = arith.constant 8 : i32
      %mul3A_232 = arith.muli %add3A_219, %mul3A_231 : i32
      %add3A_233 = arith.addi %mul3A_2, %mul3A_232 : i32
      %dma_start3A_234 = arith.constant 2 : i32
      %dma_start3A_235 = arith.constant 0 : i32
      %dma_start3A_236 = arith.constant 0 : i32
      %dma_start3A_237 = tpu.memref_slice %arg6[%dma_start3A_234, %dma_start3A_235, %dma_start3A_236] : memref<3x8x4096xf32, #tpu.memory_space<vmem>> -> memref<1x8x4096xf32, #tpu.memory_space<vmem>>
      %dma_start3A_238 = tpu.memref_squeeze %dma_start3A_237 : memref<1x8x4096xf32, #tpu.memory_space<vmem>> -> memref<8x4096xf32, #tpu.memory_space<vmem>>
      %dma_start3A_239 = arith.constant 0 : i32
      %dma_start3A_240 = tpu.memref_slice %arg4[%add3A_233, %dma_start3A_239] : memref<32768x4096xf32, #tpu.memory_space<hbm>> -> memref<8x4096xf32, #tpu.memory_space<hbm>>
      %dma_start3A_241 = arith.constant 0 : i32
      %dma_start3A_242 = tpu.memref_slice %arg4[%add3A_233, %dma_start3A_241] : memref<32768x4096xf32, #tpu.memory_space<hbm>> -> memref<8x4096xf32, #tpu.memory_space<hbm>>
      %dma_start3A_243 = arith.constant 0 : i32
      %dma_start3A_244 = arith.constant 0 : i32
      %dma_start3A_245 = tpu.memref_slice %arg6[%dma_start3A_234, %dma_start3A_243, %dma_start3A_244] : memref<3x8x4096xf32, #tpu.memory_space<vmem>> -> memref<1x8x4096xf32, #tpu.memory_space<vmem>>
      %dma_start3A_246 = tpu.memref_squeeze %dma_start3A_245 : memref<1x8x4096xf32, #tpu.memory_space<vmem>> -> memref<8x4096xf32, #tpu.memory_space<vmem>>
      tpu.enqueue_dma source(%dma_start3A_246 : memref<8x4096xf32, #tpu.memory_space<vmem>>) target(%dma_start3A_242 : memref<8x4096xf32, #tpu.memory_space<hbm>>) target_semaphore(%arg12 : memref<!tpu.dma_semaphore, #tpu.memory_space<semaphore_mem>>)
      %ge3A_247 = arith.constant 1 : i32
      %ge3A_248 = arith.cmpi sge, %add3A_219, %ge3A_247 : i32
      %convert_element_type3A_249 = arith.extui %ge3A_248 : i1 to i32
      %cond3A_250 = arith.constant 0 : i32
      %cond3A_251 = arith.cmpi ne, %convert_element_type3A_249, %cond3A_250 : i32
      scf.if %cond3A_251 {
        %sub3A_267 = arith.constant 1 : i32
        %sub3A_268 = arith.subi %add3A_219, %sub3A_267 : i32
        %mul3A_269 = arith.constant 8 : i32
        %mul3A_270 = arith.muli %sub3A_268, %mul3A_269 : i32
        %add3A_271 = arith.addi %mul3A_2, %mul3A_270 : i32
        %dma_wait3A_272 = arith.constant 1 : i32
        %dma_wait3A_273 = arith.constant 0 : i32
        %dma_wait3A_274 = arith.constant 0 : i32
        %dma_wait3A_275 = tpu.memref_slice %arg6[%dma_wait3A_272, %dma_wait3A_273, %dma_wait3A_274] : memref<3x8x4096xf32, #tpu.memory_space<vmem>> -> memref<1x8x4096xf32, #tpu.memory_space<vmem>>
        %dma_wait3A_276 = tpu.memref_squeeze %dma_wait3A_275 : memref<1x8x4096xf32, #tpu.memory_space<vmem>> -> memref<8x4096xf32, #tpu.memory_space<vmem>>
        %dma_wait3A_277 = arith.constant 0 : i32
        %dma_wait3A_278 = tpu.memref_slice %arg4[%add3A_271, %dma_wait3A_277] : memref<32768x4096xf32, #tpu.memory_space<hbm>> -> memref<8x4096xf32, #tpu.memory_space<hbm>>
        %dma_wait3A_279 = arith.constant 0 : i32
        %dma_wait3A_280 = tpu.memref_slice %arg4[%add3A_271, %dma_wait3A_279] : memref<32768x4096xf32, #tpu.memory_space<hbm>> -> memref<8x4096xf32, #tpu.memory_space<hbm>>
        %dma_wait3A_281 = arith.constant 0 : i32
        %dma_wait3A_282 = arith.constant 0 : i32
        %dma_wait3A_283 = tpu.memref_slice %arg6[%dma_wait3A_272, %dma_wait3A_281, %dma_wait3A_282] : memref<3x8x4096xf32, #tpu.memory_space<vmem>> -> memref<1x8x4096xf32, #tpu.memory_space<vmem>>
        %dma_wait3A_284 = tpu.memref_squeeze %dma_wait3A_283 : memref<1x8x4096xf32, #tpu.memory_space<vmem>> -> memref<8x4096xf32, #tpu.memory_space<vmem>>
        tpu.wait_dma2 semaphore(%arg11 : memref<!tpu.dma_semaphore, #tpu.memory_space<semaphore_mem>>) src(%dma_wait3A_284 : memref<8x4096xf32, #tpu.memory_space<vmem>>) dst(%dma_wait3A_280 : memref<8x4096xf32, #tpu.memory_space<hbm>>)
      } else {
      }
      %add3A_252 = arith.constant 3 : i32
      %add3A_253 = arith.addi %add3A_219, %add3A_252 : i32
      %sub3A_254 = arith.constant 1 : i32
      %sub3A_255 = arith.subi %add3A_253, %sub3A_254 : i32
      %mul3A_256 = arith.constant 8 : i32
      %mul3A_257 = arith.muli %sub3A_255, %mul3A_256 : i32
      %dma_start3A_258 = arith.constant 1 : i32
      %dma_start3A_259 = arith.constant 0 : i32
      %dma_start3A_260 = arith.constant 0 : i32
      %dma_start3A_261 = tpu.memref_slice %arg6[%dma_start3A_258, %dma_start3A_259, %dma_start3A_260] : memref<3x8x4096xf32, #tpu.memory_space<vmem>> -> memref<1x8x4096xf32, #tpu.memory_space<vmem>>
      %dma_start3A_262 = tpu.memref_squeeze %dma_start3A_261 : memref<1x8x4096xf32, #tpu.memory_space<vmem>> -> memref<8x4096xf32, #tpu.memory_space<vmem>>
      %dma_start3A_263 = tpu.memref_slice %arg5[%mul3A_257] : memref<1024xi32, #tpu.memory_space<vmem>> -> memref<8xi32, #tpu.memory_space<vmem>>
      %dma_start3A_264 = arith.constant 0 : i32
      %dma_start3A_265 = arith.constant 0 : i32
      %dma_start3A_266 = tpu.memref_slice %arg3[%dma_start3A_264, %dma_start3A_265] : memref<8192x4096xf32, #tpu.memory_space<hbm>> -> memref<8192x4096xf32, #tpu.memory_space<hbm>>
      tpu.enqueue_indirect_dma source(%dma_start3A_266 : memref<8192x4096xf32, #tpu.memory_space<hbm>>) target(%dma_start3A_262 : memref<8x4096xf32, #tpu.memory_space<vmem>>) offsets(%dma_start3A_263 : memref<8xi32, #tpu.memory_space<vmem>>) semaphore(%arg8 : memref<!tpu.dma_semaphore, #tpu.memory_space<semaphore_mem>>)
    }
    %scan3A_26 = arith.constant 42 : i32
    %dma_wait3A = arith.constant 0 : i32
    %dma_wait3A_27 = arith.constant 0 : i32
    %dma_wait3A_28 = arith.constant 0 : i32
    %dma_wait3A_29 = tpu.memref_slice %arg6[%dma_wait3A, %dma_wait3A_27, %dma_wait3A_28] : memref<3x8x4096xf32, #tpu.memory_space<vmem>> -> memref<1x8x4096xf32, #tpu.memory_space<vmem>>
    %dma_wait3A_30 = tpu.memref_squeeze %dma_wait3A_29 : memref<1x8x4096xf32, #tpu.memory_space<vmem>> -> memref<8x4096xf32, #tpu.memory_space<vmem>>
    %dma_wait3A_31 = arith.constant 1008 : i32
    %dma_wait3A_32 = tpu.memref_slice %arg5[%dma_wait3A_31] : memref<1024xi32, #tpu.memory_space<vmem>> -> memref<8xi32, #tpu.memory_space<vmem>>
    %dma_wait3A_33 = arith.constant 0 : i32
    %dma_wait3A_34 = arith.constant 0 : i32
    %dma_wait3A_35 = tpu.memref_slice %arg3[%dma_wait3A_33, %dma_wait3A_34] : memref<8192x4096xf32, #tpu.memory_space<hbm>> -> memref<8192x4096xf32, #tpu.memory_space<hbm>>
    tpu.wait_indirect_dma semaphore(%arg7 : memref<!tpu.dma_semaphore, #tpu.memory_space<semaphore_mem>>) src(%dma_wait3A_35 : memref<8192x4096xf32, #tpu.memory_space<hbm>>) dst(%dma_wait3A_30 : memref<8x4096xf32, #tpu.memory_space<vmem>>)
    %add3A_36 = arith.constant 1008 : i32
    %add3A_37 = arith.addi %mul3A_2, %add3A_36 : i32
    %dma_start3A_38 = arith.constant 0 : i32
    %dma_start3A_39 = arith.constant 0 : i32
    %dma_start3A_40 = arith.constant 0 : i32
    %dma_start3A_41 = tpu.memref_slice %arg6[%dma_start3A_38, %dma_start3A_39, %dma_start3A_40] : memref<3x8x4096xf32, #tpu.memory_space<vmem>> -> memref<1x8x4096xf32, #tpu.memory_space<vmem>>
    %dma_start3A_42 = tpu.memref_squeeze %dma_start3A_41 : memref<1x8x4096xf32, #tpu.memory_space<vmem>> -> memref<8x4096xf32, #tpu.memory_space<vmem>>
    %dma_start3A_43 = arith.constant 0 : i32
    %dma_start3A_44 = tpu.memref_slice %arg4[%add3A_37, %dma_start3A_43] : memref<32768x4096xf32, #tpu.memory_space<hbm>> -> memref<8x4096xf32, #tpu.memory_space<hbm>>
    %dma_start3A_45 = arith.constant 0 : i32
    %dma_start3A_46 = tpu.memref_slice %arg4[%add3A_37, %dma_start3A_45] : memref<32768x4096xf32, #tpu.memory_space<hbm>> -> memref<8x4096xf32, #tpu.memory_space<hbm>>
    %dma_start3A_47 = arith.constant 0 : i32
    %dma_start3A_48 = arith.constant 0 : i32
    %dma_start3A_49 = tpu.memref_slice %arg6[%dma_start3A_38, %dma_start3A_47, %dma_start3A_48] : memref<3x8x4096xf32, #tpu.memory_space<vmem>> -> memref<1x8x4096xf32, #tpu.memory_space<vmem>>
    %dma_start3A_50 = tpu.memref_squeeze %dma_start3A_49 : memref<1x8x4096xf32, #tpu.memory_space<vmem>> -> memref<8x4096xf32, #tpu.memory_space<vmem>>
    tpu.enqueue_dma source(%dma_start3A_50 : memref<8x4096xf32, #tpu.memory_space<vmem>>) target(%dma_start3A_46 : memref<8x4096xf32, #tpu.memory_space<hbm>>) target_semaphore(%arg10 : memref<!tpu.dma_semaphore, #tpu.memory_space<semaphore_mem>>)
    %add3A_51 = arith.constant 1000 : i32
    %add3A_52 = arith.addi %mul3A_2, %add3A_51 : i32
    %dma_wait3A_53 = arith.constant 2 : i32
    %dma_wait3A_54 = arith.constant 0 : i32
    %dma_wait3A_55 = arith.constant 0 : i32
    %dma_wait3A_56 = tpu.memref_slice %arg6[%dma_wait3A_53, %dma_wait3A_54, %dma_wait3A_55] : memref<3x8x4096xf32, #tpu.memory_space<vmem>> -> memref<1x8x4096xf32, #tpu.memory_space<vmem>>
    %dma_wait3A_57 = tpu.memref_squeeze %dma_wait3A_56 : memref<1x8x4096xf32, #tpu.memory_space<vmem>> -> memref<8x4096xf32, #tpu.memory_space<vmem>>
    %dma_wait3A_58 = arith.constant 0 : i32
    %dma_wait3A_59 = tpu.memref_slice %arg4[%add3A_52, %dma_wait3A_58] : memref<32768x4096xf32, #tpu.memory_space<hbm>> -> memref<8x4096xf32, #tpu.memory_space<hbm>>
    %dma_wait3A_60 = arith.constant 0 : i32
    %dma_wait3A_61 = tpu.memref_slice %arg4[%add3A_52, %dma_wait3A_60] : memref<32768x4096xf32, #tpu.memory_space<hbm>> -> memref<8x4096xf32, #tpu.memory_space<hbm>>
    %dma_wait3A_62 = arith.constant 0 : i32
    %dma_wait3A_63 = arith.constant 0 : i32
    %dma_wait3A_64 = tpu.memref_slice %arg6[%dma_wait3A_53, %dma_wait3A_62, %dma_wait3A_63] : memref<3x8x4096xf32, #tpu.memory_space<vmem>> -> memref<1x8x4096xf32, #tpu.memory_space<vmem>>
    %dma_wait3A_65 = tpu.memref_squeeze %dma_wait3A_64 : memref<1x8x4096xf32, #tpu.memory_space<vmem>> -> memref<8x4096xf32, #tpu.memory_space<vmem>>
    tpu.wait_dma2 semaphore(%arg12 : memref<!tpu.dma_semaphore, #tpu.memory_space<semaphore_mem>>) src(%dma_wait3A_65 : memref<8x4096xf32, #tpu.memory_space<vmem>>) dst(%dma_wait3A_61 : memref<8x4096xf32, #tpu.memory_space<hbm>>)
    %dma_wait3A_66 = arith.constant 1 : i32
    %dma_wait3A_67 = arith.constant 0 : i32
    %dma_wait3A_68 = arith.constant 0 : i32
    %dma_wait3A_69 = tpu.memref_slice %arg6[%dma_wait3A_66, %dma_wait3A_67, %dma_wait3A_68] : memref<3x8x4096xf32, #tpu.memory_space<vmem>> -> memref<1x8x4096xf32, #tpu.memory_space<vmem>>
    %dma_wait3A_70 = tpu.memref_squeeze %dma_wait3A_69 : memref<1x8x4096xf32, #tpu.memory_space<vmem>> -> memref<8x4096xf32, #tpu.memory_space<vmem>>
    %dma_wait3A_71 = arith.constant 1016 : i32
    %dma_wait3A_72 = tpu.memref_slice %arg5[%dma_wait3A_71] : memref<1024xi32, #tpu.memory_space<vmem>> -> memref<8xi32, #tpu.memory_space<vmem>>
    %dma_wait3A_73 = arith.constant 0 : i32
    %dma_wait3A_74 = arith.constant 0 : i32
    %dma_wait3A_75 = tpu.memref_slice %arg3[%dma_wait3A_73, %dma_wait3A_74] : memref<8192x4096xf32, #tpu.memory_space<hbm>> -> memref<8192x4096xf32, #tpu.memory_space<hbm>>
    tpu.wait_indirect_dma semaphore(%arg8 : memref<!tpu.dma_semaphore, #tpu.memory_space<semaphore_mem>>) src(%dma_wait3A_75 : memref<8192x4096xf32, #tpu.memory_space<hbm>>) dst(%dma_wait3A_70 : memref<8x4096xf32, #tpu.memory_space<vmem>>)
    %add3A_76 = arith.constant 1016 : i32
    %add3A_77 = arith.addi %mul3A_2, %add3A_76 : i32
    %dma_start3A_78 = arith.constant 1 : i32
    %dma_start3A_79 = arith.constant 0 : i32
    %dma_start3A_80 = arith.constant 0 : i32
    %dma_start3A_81 = tpu.memref_slice %arg6[%dma_start3A_78, %dma_start3A_79, %dma_start3A_80] : memref<3x8x4096xf32, #tpu.memory_space<vmem>> -> memref<1x8x4096xf32, #tpu.memory_space<vmem>>
    %dma_start3A_82 = tpu.memref_squeeze %dma_start3A_81 : memref<1x8x4096xf32, #tpu.memory_space<vmem>> -> memref<8x4096xf32, #tpu.memory_space<vmem>>
    %dma_start3A_83 = arith.constant 0 : i32
    %dma_start3A_84 = tpu.memref_slice %arg4[%add3A_77, %dma_start3A_83] : memref<32768x4096xf32, #tpu.memory_space<hbm>> -> memref<8x4096xf32, #tpu.memory_space<hbm>>
    %dma_start3A_85 = arith.constant 0 : i32
    %dma_start3A_86 = tpu.memref_slice %arg4[%add3A_77, %dma_start3A_85] : memref<32768x4096xf32, #tpu.memory_space<hbm>> -> memref<8x4096xf32, #tpu.memory_space<hbm>>
    %dma_start3A_87 = arith.constant 0 : i32
    %dma_start3A_88 = arith.constant 0 : i32
    %dma_start3A_89 = tpu.memref_slice %arg6[%dma_start3A_78, %dma_start3A_87, %dma_start3A_88] : memref<3x8x4096xf32, #tpu.memory_space<vmem>> -> memref<1x8x4096xf32, #tpu.memory_space<vmem>>
    %dma_start3A_90 = tpu.memref_squeeze %dma_start3A_89 : memref<1x8x4096xf32, #tpu.memory_space<vmem>> -> memref<8x4096xf32, #tpu.memory_space<vmem>>
    tpu.enqueue_dma source(%dma_start3A_90 : memref<8x4096xf32, #tpu.memory_space<vmem>>) target(%dma_start3A_86 : memref<8x4096xf32, #tpu.memory_space<hbm>>) target_semaphore(%arg11 : memref<!tpu.dma_semaphore, #tpu.memory_space<semaphore_mem>>)
    %add3A_91 = arith.constant 1008 : i32
    %add3A_92 = arith.addi %mul3A_2, %add3A_91 : i32
    %dma_wait3A_93 = arith.constant 0 : i32
    %dma_wait3A_94 = arith.constant 0 : i32
    %dma_wait3A_95 = arith.constant 0 : i32
    %dma_wait3A_96 = tpu.memref_slice %arg6[%dma_wait3A_93, %dma_wait3A_94, %dma_wait3A_95] : memref<3x8x4096xf32, #tpu.memory_space<vmem>> -> memref<1x8x4096xf32, #tpu.memory_space<vmem>>
    %dma_wait3A_97 = tpu.memref_squeeze %dma_wait3A_96 : memref<1x8x4096xf32, #tpu.memory_space<vmem>> -> memref<8x4096xf32, #tpu.memory_space<vmem>>
    %dma_wait3A_98 = arith.constant 0 : i32
    %dma_wait3A_99 = tpu.memref_slice %arg4[%add3A_92, %dma_wait3A_98] : memref<32768x4096xf32, #tpu.memory_space<hbm>> -> memref<8x4096xf32, #tpu.memory_space<hbm>>
    %dma_wait3A_100 = arith.constant 0 : i32
    %dma_wait3A_101 = tpu.memref_slice %arg4[%add3A_92, %dma_wait3A_100] : memref<32768x4096xf32, #tpu.memory_space<hbm>> -> memref<8x4096xf32, #tpu.memory_space<hbm>>
    %dma_wait3A_102 = arith.constant 0 : i32
    %dma_wait3A_103 = arith.constant 0 : i32
    %dma_wait3A_104 = tpu.memref_slice %arg6[%dma_wait3A_93, %dma_wait3A_102, %dma_wait3A_103] : memref<3x8x4096xf32, #tpu.memory_space<vmem>> -> memref<1x8x4096xf32, #tpu.memory_space<vmem>>
    %dma_wait3A_105 = tpu.memref_squeeze %dma_wait3A_104 : memref<1x8x4096xf32, #tpu.memory_space<vmem>> -> memref<8x4096xf32, #tpu.memory_space<vmem>>
    tpu.wait_dma2 semaphore(%arg10 : memref<!tpu.dma_semaphore, #tpu.memory_space<semaphore_mem>>) src(%dma_wait3A_105 : memref<8x4096xf32, #tpu.memory_space<vmem>>) dst(%dma_wait3A_101 : memref<8x4096xf32, #tpu.memory_space<hbm>>)
    %add3A_106 = arith.constant 1016 : i32
    %add3A_107 = arith.addi %mul3A_2, %add3A_106 : i32
    %dma_wait3A_108 = arith.constant 1 : i32
    %dma_wait3A_109 = arith.constant 0 : i32
    %dma_wait3A_110 = arith.constant 0 : i32
    %dma_wait3A_111 = tpu.memref_slice %arg6[%dma_wait3A_108, %dma_wait3A_109, %dma_wait3A_110] : memref<3x8x4096xf32, #tpu.memory_space<vmem>> -> memref<1x8x4096xf32, #tpu.memory_space<vmem>>
    %dma_wait3A_112 = tpu.memref_squeeze %dma_wait3A_111 : memref<1x8x4096xf32, #tpu.memory_space<vmem>> -> memref<8x4096xf32, #tpu.memory_space<vmem>>
    %dma_wait3A_113 = arith.constant 0 : i32
    %dma_wait3A_114 = tpu.memref_slice %arg4[%add3A_107, %dma_wait3A_113] : memref<32768x4096xf32, #tpu.memory_space<hbm>> -> memref<8x4096xf32, #tpu.memory_space<hbm>>
    %dma_wait3A_115 = arith.constant 0 : i32
    %dma_wait3A_116 = tpu.memref_slice %arg4[%add3A_107, %dma_wait3A_115] : memref<32768x4096xf32, #tpu.memory_space<hbm>> -> memref<8x4096xf32, #tpu.memory_space<hbm>>
    %dma_wait3A_117 = arith.constant 0 : i32
    %dma_wait3A_118 = arith.constant 0 : i32
    %dma_wait3A_119 = tpu.memref_slice %arg6[%dma_wait3A_108, %dma_wait3A_117, %dma_wait3A_118] : memref<3x8x4096xf32, #tpu.memory_space<vmem>> -> memref<1x8x4096xf32, #tpu.memory_space<vmem>>
    %dma_wait3A_120 = tpu.memref_squeeze %dma_wait3A_119 : memref<1x8x4096xf32, #tpu.memory_space<vmem>> -> memref<8x4096xf32, #tpu.memory_space<vmem>>
    tpu.wait_dma2 semaphore(%arg11 : memref<!tpu.dma_semaphore, #tpu.memory_space<semaphore_mem>>) src(%dma_wait3A_120 : memref<8x4096xf32, #tpu.memory_space<vmem>>) dst(%dma_wait3A_116 : memref<8x4096xf32, #tpu.memory_space<hbm>>)
    return
  }
}

</mosaic_0001>

<sc_bundles>
// kernel: kernel.3.cloned.1.call-start
scs
__scs_entry_jumppad:
0x0: {  	(pc) =	sbr.rel $0x88, $3  }
0x1: {  	(tag) =	ssettag $0x0;
	lr =	simm.s32 $0x1  }
0x2: {  	[smem:$0x3F9F] =	sst lr;
	_ =	strace $0xD0000000  }
0x3: {  	_ = 	snop  }
0x4: {  	_ = 	snop  }
0x5: {  	_ = 	snop  }
0x6: {  	_ = 	snop  }
0x7: {  	_ = 	snop  }
__scs_overlays_trampoline_lowered:
0x8: {  	[smem:$0x3FAE] =	sst s0  }
0x9: {  	[smem:$0x3FAF] =	sst s1  }
0xa: {  	[smem:$0x3FB0] =	sst s2  }
0xb: {  	[smem:$0x3FB1] =	sst s3  }
0xc: {  	[smem:$0x3FB2] =	sst s4  }
0xd: {  	[smem:$0x3FB3] =	sst s5  }
0xe: {  	[smem:$0x3FB4] =	sst s6  }
0xf: {  	[smem:$0x3FB5] =	sst s7  }
0x10: {  	[smem:$0x3FB6] =	sst s8  }
0x11: {  	[smem:$0x3FB7] =	sst s9;
	s0 =	simm.s32 @!p0 $0x0  }
0x12: {  	s1 =	sld [smem:$0x3F9D];
	s0 =	simm.s32 @p0 $0x1  }
0x13: {  	[smem:$0x3FB8] =	sst s0;
	s0 =	simm.s32 @!p1 $0x0  }
0x14: {  	s2 =	sld [smem:$0x3F9C];
	s0 =	simm.s32 @p1 $0x1  }
0x15: {  	[smem:$0x3FB9] =	sst s0;
	s0 =	simm.s32 @!p2 $0x0  }
0x16: {  	s3 =	sld [smem:$0x3FDB];
	s0 =	simm.s32 @p2 $0x1  }
0x17: {  	s4 =	simm.s32 $0x1BF5;
	[smem:$0x3FBB] =	sst s0  }
0x18: {  	s0 =	sld [smem:$0x3F9E];
	_ =	swait.ge [sflag:s4], $0x0  }
0x19: {  	s7 =	sld [smem:$0x3F9F]  }
0x1a: {  	s8 =	sadd.s32 $0xFFFFE003, lr  }
0x1b: {  	s9 =	sadd.s32 $0xFFFFFEF7, lr;
	s5 =	simm.s32 $0xFFFFFFFF;
	p2 =	slt.u32 s8, $0xFFFFF086  }
0x1c: {  	p1 =	slt.u32 s9, $0xF7A;
	s5 =	simm.s32 @!p2 $0x0  }
0x1d: {  	s5 =	simm.s32 @p1 $0x1;
	p0 =	seq.s32 s7, s2  }
0x1e: {  	s7 =	smul.u32 @!p0 $0xF7A, s2;
	p2 =	seq.s32 @!p0 s5, $0x0  }
0x1f: {  	s9 =	smul.u32 $0xF7A, s1;
	s8 =	simm.s32 @!p0 $0x1BF5;
	p2 =	por !p2, p0  }
0x20: {  	[sflag:s8] =	ssyncset.s32 @!p0 $0xFFFFF086;
	s6 =	sadd.s32 @!p0 s3, s7;
	s7 =	simm.s32 @!p0 $0x108  }
0x21: {  	s3 =	sadd.s32 s3, s9;
	s6 =	sadd.s32 @!p0 $0x88, s6;
	s7 =	simm.s32 @p2 $0x1082  }
0x22: {  	[simem:s7], [sflag:s8] =	dma.local @!p0 [hbm:s6], $0xF7A  }
0x23: {  	s9 =	sor.u32 $0xD0000000, s2;
	s6 =	simm.s32 $0x108;
	_ =	swait.ge @!p0 [sflag:s8], $0x0  }
0x24: {  	s3 =	sadd.s32 $0x88, s3;
	s6 =	simm.s32 @!p1 $0x1082;
	[sflag:s4] =	ssyncset.s32 $0xFFFFF086  }
0x25: {  	[simem:s6], [sflag:s4] =	dma.local [hbm:s3], $0xF7A  }
0x26: {  	[smem:$0x3F9F] =	sst s1;
	(tag) =	ssettag s2;
	_ =	strace s9  }
0x27: {  	s1 =	sld [smem:$0x3FAF]  }
0x28: {  	s2 =	sld [smem:$0x3FB0]  }
0x29: {  	s4 =	sld [smem:$0x3FB2]  }
0x2a: {  	p0 =	seq.s32 s5, $0x0;
	s5 =	sld [smem:$0x3FB3]  }
0x2b: {  	s6 =	sld [smem:$0x3FB4]  }
0x2c: {  	s7 =	sld [smem:$0x3FB5]  }
0x2d: {  	s3 =	simm.s32 $0x108;
	s8 =	sld [smem:$0x3FB6]  }
0x2e: {  	s3 =	simm.s32 @!p0 $0x1082;
	s9 =	sld [smem:$0x3FB7]  }
0x2f: {  	lr =	sadd.s32 s0, s3;
	s0 =	sld [smem:$0x3FAE]  }
0x30: {  	s3 =	sld [smem:$0x3FB1]  }
0x31: {  	[smem:$0x3FBA] =	sst s10  }
0x32: {  	s10 =	sld [smem:$0x3FB8];
	_ =	sdelay $0x3  }
0x33: {  	p0 =	seq.s32 s10, $0x1;
	s10 =	sld [smem:$0x3FBA];
	_ =	sdelay $0x3  }
0x34: {  	[smem:$0x3FBA] =	sst s10  }
0x35: {  	s10 =	sld [smem:$0x3FB9];
	_ =	sdelay $0x3  }
0x36: {  	p1 =	seq.s32 s10, $0x1;
	s10 =	sld [smem:$0x3FBA];
	_ =	sdelay $0x3  }
0x37: {  	[smem:$0x3FBA] =	sst s10  }
0x38: {  	s10 =	sld [smem:$0x3FBB]  }
0x39: {  	_ = 	snop;
	(pc) =	sbr.ind lr, $3  }
0x3a: {  	_ = 	snop  }
0x3b: {  	_ = 	snop  }
0x3c: {  	p2 =	seq.s32 s10, $0x1;
	s10 =	sld [smem:$0x3FBA]  }
0x3d: {  	_ =	shalt  }
0x3e: {  	_ =	shalt  }
0x3f: {  	_ =	shalt  }
0x40: {  	_ =	shalt  }
0x41: {  	_ =	shalt  }
0x42: {  	_ =	shalt  }
0x43: {  	_ =	shalt  }
0x44: {  	_ =	shalt  }
0x45: {  	_ =	shalt  }
0x46: {  	_ =	shalt  }
0x47: {  	_ =	shalt  }
0x48: {  	_ =	shalt  }
0x49: {  	_ =	shalt  }
0x4a: {  	_ =	shalt  }
0x4b: {  	_ =	shalt  }
0x4c: {  	_ =	shalt  }
0x4d: {  	_ =	shalt  }
0x4e: {  	_ =	shalt  }
0x4f: {  	_ =	shalt  }
0x50: {  	_ =	shalt  }
0x51: {  	_ =	shalt  }
0x52: {  	_ =	shalt  }
0x53: {  	_ =	shalt  }
0x54: {  	_ =	shalt  }
0x55: {  	_ =	shalt  }
0x56: {  	_ =	shalt  }
0x57: {  	_ =	shalt  }
0x58: {  	_ =	shalt  }
0x59: {  	_ =	shalt  }
0x5a: {  	_ =	shalt  }
0x5b: {  	_ =	shalt  }
0x5c: {  	_ =	shalt  }
0x5d: {  	_ =	shalt  }
0x5e: {  	_ =	shalt  }
0x5f: {  	_ =	shalt  }
0x60: {  	_ =	shalt  }
0x61: {  	_ =	shalt  }
0x62: {  	_ =	shalt  }
0x63: {  	_ =	shalt  }
0x64: {  	_ =	shalt  }
0x65: {  	_ =	shalt  }
0x66: {  	_ =	shalt  }
0x67: {  	_ =	shalt  }
0x68: {  	_ =	shalt  }
0x69: {  	_ =	shalt  }
0x6a: {  	_ =	shalt  }
0x6b: {  	_ =	shalt  }
0x6c: {  	_ =	shalt  }
0x6d: {  	_ =	shalt  }
0x6e: {  	_ =	shalt  }
0x6f: {  	_ =	shalt  }
0x70: {  	_ =	shalt  }
0x71: {  	_ =	shalt  }
0x72: {  	_ =	shalt  }
0x73: {  	_ =	shalt  }
0x74: {  	_ =	shalt  }
0x75: {  	_ =	shalt  }
0x76: {  	_ =	shalt  }
0x77: {  	_ =	shalt  }
0x78: {  	_ =	shalt  }
0x79: {  	_ =	shalt  }
0x7a: {  	_ =	shalt  }
0x7b: {  	_ =	shalt  }
0x7c: {  	_ =	shalt  }
0x7d: {  	_ =	shalt  }
0x7e: {  	_ =	shalt  }
0x7f: {  	_ =	shalt  }
0x80: {  	_ =	shalt  }
0x81: {  	_ =	shalt  }
0x82: {  	_ =	shalt  }
0x83: {  	_ =	shalt  }
0x84: {  	_ =	shalt  }
0x85: {  	_ =	shalt  }
0x86: {  	_ =	shalt  }
0x87: {  	_ =	shalt  }
.Lfunc_end0:
.L_simem_size_0:
called_computation_lowered:
.L_overlay_start_0:
0x88: {  	s2 =	sld [smem:$0x3FD9]  }
0x89: {  	s3 =	sld [smem:$0x3FFE];
	_ =	sdelay $0x1  }
0x8a: {  	s1 =	srdreg.scid  }
0x8b: {  	s0 =	sand.u32 $0x1, s1  }
0x8c: {  	s17 =	sshll.u32 s0, $0xA;
	s2 =	sadd.s32 s3, s2  }
0x8d: {  	s2 =	sadd.s32 s2, s17  }
0x8e: {  	[smem:$0x3FC6] =	sst s2  }
0x8f: {  	_ = 	snop  }
0x90: {  	s2 =	sld [smem:$0x3FC8]  }
0x91: {  	s18 =	sld [smem:$0x3FD0];
	(tm) =	ssettm $0x1  }
0x92: {  	s4 =	sld [smem:$0x3FFB];
	_ =	sdelay $0x3  }
0x93: {  	_ =	strace s4  }
0x94: {  	s4 =	sld [smem:$0x3FFC];
	_ =	sdelay $0x3  }
0x95: {  	_ =	strace s4  }
0x96: {  	s4 =	sld [smem:$0x3FFD];
	_ =	sdelay $0x3  }
0x97: {  	_ =	strace s4  }
0x98: {  	_ =	strace $0x8FFFFFFF  }
0x99: {  	s19 =	sld [smem:$0x3FDB];
	_ =	sdelay $0x1  }
0x9a: {  	s5 =	simm.s32 $_scs_section_size  }
0x9b: {  	s6 =	simm.s32 $_size__tile_overlayer_lowered;
	s7 =	simm.s32 $_tile_overlayer_lowered  }
0x9c: {  	s22 =	simm.s32 $0x1BFF;
	s21 =	sshll.u32 s7, $0x1;
	s4 =	sadd.s32 s5, s19  }
0x9d: {  	s8 =	simm.s32 $0x0;
	s20 =	sshll.u32 s6, $0x1;
	s6 =	sadd.s32 s21, s4  }
0x9e: {  	[timem:s8], [sflag:s22] =	dma.local [hbm:s6], s20  }
0x9f: {  	_ =	swait.ge [sflag:s22], s20  }
0xa0: {  	s5 =	ssub.s32 $0x0, s20;
	[sflag:s22] =	ssyncset.done $0x0  }
0xa1: {  	[sflag:s22] =	ssyncadd.s32 s5;
	_ =	sdelay $0x1  }
0xa2: {  	s23 =	simm.s32 $0x1B8B  }
0xa3: {  	_ =	swait.ge [sflag:s23], $0x1  }
0xa4: {  	[sflag:s23] =	ssyncset.done $0x0  }
0xa5: {  	s25 =	simm.s32 $0x1B8E;
	s24 =	sld [smem:$0x3FFE];
	[sflag:s23] =	ssyncadd.s32 $0xFFFFFFFF  }
0xa6: {  	s26 =	simm.s32 $execute0_lowered;
	[smem:$0x3FD2] =	sst s25  }
0xa7: {  	s6 =	sshll.u32 s26, $0x1;
	_ =	strace $0x80000046;
	[dreg:$0x1] =	wrdreg $0xFFFFFFFF  }
0xa8: {  	s28 =	simm.s32 $_size_execute0_lowered;
	s4 =	sadd.s32 s4, s6;
	[dreg:$0x0] =	wrdreg $0x0  }
0xa9: {  	s6 =	sshll.u32 s28, $0x1;
	[dreg:$0x2] =	wrdreg s4  }
0xaa: {  	[dreg:$0x3] =	wrdreg s6  }
0xab: {  	[dreg:$0x4] =	wrdreg $0xC0  }
0xac: {  	_ =	task [dreg:s8], $0x5FFFF  }
0xad: {  	[dreg:$0x1] =	wrdreg $0xFFFFFFFF  }
0xae: {  	[dreg:$0x0] =	wrdreg $0x60  }
0xaf: {  	[dreg:$0x2] =	wrdreg s24  }
0xb0: {  	[dreg:$0x3] =	wrdreg s2  }
0xb1: {  	[dreg:$0x4] =	wrdreg s18  }
0xb2: {  	[dreg:$0x5] =	wrdreg $0x9  }
0xb3: {  	_ =	task.clear_ibuf [dreg:s8], $0x6FFFF;
	_ =	strace $0x90000046  }
0xb4: {  	s29 =	simm.s32 $0x9;
	_ =	strace $0x80000048  }
0xb5: {  	_ =	swait.ge [sflag:s29], $0x1  }
0xb6: {  	[sflag:s29] =	ssyncadd.s32 $0xFFFFFFFF  }
0xb7: {  	_ =	strace $0x90000048  }
0xb8: {  	_ =	sfence  }
0xb9: {  	s30 =	sld [smem:$0x0];
	_ =	sdelay $0x2  }
0xba: {  	s31 =	sshll.u32 s1, $0xD;
	s1 =	sshrl.u32 s1, $0x2  }
0xbb: {  	s3 =	sand.u32 $0x4000, s31;
	s1 =	sadd.s32 s1, s30  }
0xbc: {  	s0 =	sor.u32 s3, s0;
	s1 =	sshll.u32 s1, $0x11  }
0xbd: {  	s0 =	sor.u32 s1, s0  }
0xbe: {  	s0 =	sadd.s32 $0x8F2B, s0  }
0xbf: {  	[sflag:s0] =	ssyncadd.remote.s32 $0x1  }
0xc0: {  	_ =	sfence.sel $0xFFFF  }
0xc1: {  	[dreg:$0x0] =	wrdreg $0xFFFFFFFF;
	(pc) =	sbr.abs _section_cstart, $3  }
0xc2: {  	[dreg:$0x1] =	wrdreg $0xFFFFFFFF  }
0xc3: {  	_ =	task.clear_ibuf [dreg:s8], $0x2FFFF;
	_ =	strace $0x9FFFFFFF  }
0xc4: {  	(tm) =	ssettm $0x7FFFFFFF  }
0xc5: {  	_ =	shalt  }
tec
execute0_lowered:
.L_overlay_start_1:
0x0: {  	(tag) =	ssettag $0x1  }
0x1: {  	s0 =	rddreg [dreg:$0x0]  }
0x2: {  	s2 =	rddreg [dreg:$0x1]  }
0x3: {  	s1 =	srdreg.scid;
	s4 =	rddreg [dreg:$0x2]  }
0x4: {  	s9 =	stileid.u32;
	s3 =	simm.s32 $0x0;
	s16 =	simm.s32 $0x10C00  }
0x5: {  	s17 =	simm.s32 $0x11400;
	s18 =	simm.s32 $0x11C00;
	s19 =	simm.s32 $0x12400  }
0x6: {  	s21 =	simm.s32 $0x12C00;
	s22 =	simm.s32 $0x13400;
	s23 =	simm.s32 $0x13C00  }
0x7: {  	s24 =	simm.s32 $0x14400;
	s25 =	simm.s32 $0x14C00;
	[smem:$0x7FF] =	sst s3  }
0x8: {  	s26 =	simm.s32 $0x15400;
	_ =	strace $0x80000047;
	[dreg:$0x6] =	wrdreg s16  }
0x9: {  	s29 =	simm.s32 $0xC00;
	s30 =	simm.s32 $0x1400;
	[dreg:$0x7] =	wrdreg s17  }
0xa: {  	s31 =	simm.s32 $0x2C00;
	s28 =	simm.s32 $0x8400;
	[dreg:$0x8] =	wrdreg s18  }
0xb: {  	s1 =	sand.u32 $0x1, s1;
	s5 =	sshll.u32 s9, $0xB;
	[dreg:$0x9] =	wrdreg s19  }
0xc: {  	s14 =	sshll.u32 s9, $0x14;
	s9 =	sadd.s32 $0x500, s2;
	[dreg:$0xa] =	wrdreg s21  }
0xd: {  	s10 =	sadd.s32 $0x600, s2;
	s11 =	sadd.s32 $0x700, s2;
	[dreg:$0xb] =	wrdreg s22  }
0xe: {  	s6 =	sshll.u32 s1, $0xA;
	s12 =	ssub.s32 $0x2, s1;
	[dreg:$0xc] =	wrdreg s23  }
0xf: {  	s1 =	sshll.u32 s1, $0x13;
	s16 =	sadd.s32 $0xC00, s2;
	[dreg:$0xd] =	wrdreg s24  }
0x10: {  	s17 =	sadd.s32 $0xD00, s2;
	[dreg:$0xe] =	wrdreg s25;
	s18 =	sadd.s32 $0xE00, s2  }
0x11: {  	[dreg:$0xf] =	wrdreg s26;
	s19 =	sadd.s32 $0xF00, s2;
	s21 =	simm.s32 $0x16400  }
0x12: {  	s23 =	simm.s32 $0x16C00;
	s24 =	simm.s32 $0x17400;
	[dreg:$0x11] =	wrdreg s21  }
0x13: {  	s26 =	simm.s32 $0x17C00;
	s6 =	sor.u32 s6, s5;
	[dreg:$0x12] =	wrdreg s23  }
0x14: {  	s8 =	sshrl.u32 s12, $0x1;
	s5 =	sadd.s32 $0x100, s2;
	[dreg:$0x13] =	wrdreg s24  }
0x15: {  	s24 =	simm.s32 $0x400;
	[dreg:$0x14] =	wrdreg s26;
	s26 =	simm.s32 $0x2400  }
0x16: {  	s21 =	simm.s32 $0x3;
	s23 =	simm.s32 $0x0;
	s7 =	sshrl.u32 s6, $0x3  }
0x17: {  	s20 =	ssub.s32 s12, s8;
	s13 =	sshll.u32 s6, $0x9;
	s6 =	sadd.s32 $0x200, s2  }
0x18: {  	s8 =	sadd.s32 $0x400, s2;
	s12 =	sadd.s32 $0x800, s2;
	s0 =	sadd.s32 s7, s0  }
0x19: {  	[dreg:$0x19] =	wrdreg s23;
	s7 =	sadd.s32 $0x300, s2;
	s0 =	sadd.s32 $0x400, s0  }
0x1a: {  	s25 =	smax.u32 s20, $0x1;
	[dreg:$0x15] =	wrdreg s0;
	s0 =	sadd.s32 s13, s4  }
0x1b: {  	[dreg:$0x18] =	wrdreg s25;
	s4 =	sadd.s32 s14, s4;
	s15 =	sadd.s32 $0x1000, s0  }
0x1c: {  	s20 =	simm.s32 $0x4;
	s1 =	sadd.s32 s1, s4;
	[dreg:$0x4] =	wrdreg s15  }
0x1d: {  	s25 =	simm.s32 $0x1C00;
	s4 =	simm.s32 $0x15C00;
	[dreg:$0x5] =	wrdreg s1  }
0x1e: {  	s13 =	sadd.s32 $0x900, s2;
	s22 =	sadd.s32 $0x7E000, s0;
	[dreg:$0x10] =	wrdreg s4  }
0x1f: {  	v0 =	vlaneseq.u32;
	s14 =	sadd.s32 $0xA00, s2;
	s0 =	sadd.s32 $0x7F000, s0;
	[dreg:$0x16] =	wrdreg s22  }
0x20: {  	v1 =	vshrl.u32 v0, $0x3;
	s15 =	sadd.s32 $0xB00, s2;
	[dreg:$0x17] =	wrdreg s0;
	s0 =	simm.s32 $0x1  }
0x21: {  	vm0 =	vmmov $0xffff;
	v0 =	vand.u32 $0x7, v0;
	v1 =	vmul.u32 $0x8, v1;
	s1 =	simm.s32 $0x10400;
	s4 =	simm.s32 $0x2;
	s22 =	simm.s32 $0x5  }
.LBB2_1:
0x22: {  	s23 =	rddreg [dreg:$0x15]  }
0x23: {  	[tilespmem:s3], [sflag:$0x7] =	stream.linear.gather [hbm4b:s23+s3], $0x400, $0x38;
	[tilespmem:$0x18400] =	vst v63  }
0x24: {  	s23 =	simm.s32 $0x7  }
0x25: {  	_ =	swait.ge [sflag:s23], $0x400  }
0x26: {  	[sflag:s23] =	ssyncset.done $0x0  }
0x27: {  	[sflag:s23] =	ssyncadd.s32 $0xFFFFFC00  }
0x28: {  	v2 =	vld.msk [tilespmem:$0x0], $0xff;
	_ =	sdelay $0x4  }
0x29: {  	v3 =	vshll.u32 v2, $0x5  }
0x2a: {  	v2 =	vand.u32 $0x7, v2;
	v3 =	vand.u32 $0xFFFFFF00, v3  }
0x2b: {  	v2 =	vor.u32 v2, v3  }
0x2c: {  	v2 =	vperm.xlane v2, v0;
	_ =	sdelay $0x1  }
0x2d: {  	v2 =	vadd.s32 v1, v2;
	_ =	sdelay $0x4  }
0x2e: {  	[tilespmem:s24], [sflag:$0x1] =	stream.indirect_vreg.gather [hbm4b:s2+s3], $0x80, v2, vm0, $0xb8;
	[tilespmem:$0x18400] =	vst v63  }
0x2f: {  	_ = 	snop  }
0x30: {  	[tilespmem:s29], [sflag:$0x1] =	stream.indirect_vreg.gather [hbm4b:s5+s3], $0x80, v2, vm0, $0xb8;
	[tilespmem:$0x18400] =	vst v63  }
0x31: {  	_ = 	snop  }
0x32: {  	[tilespmem:s30], [sflag:$0x1] =	stream.indirect_vreg.gather [hbm4b:s6+s3], $0x80, v2, vm0, $0xb8;
	[tilespmem:$0x18400] =	vst v63  }
0x33: {  	_ = 	snop  }
0x34: {  	[tilespmem:s25], [sflag:$0x1] =	stream.indirect_vreg.gather [hbm4b:s7+s3], $0x80, v2, vm0, $0xb8;
	[tilespmem:$0x18400] =	vst v63  }
0x35: {  	_ = 	snop  }
0x36: {  	[tilespmem:s26], [sflag:$0x1] =	stream.indirect_vreg.gather [hbm4b:s8+s3], $0x80, v2, vm0, $0xb8;
	[tilespmem:$0x18400] =	vst v63  }
0x37: {  	_ = 	snop  }
0x38: {  	[tilespmem:s31], [sflag:$0x1] =	stream.indirect_vreg.gather [hbm4b:s9+s3], $0x80, v2, vm0, $0xb8;
	[tilespmem:$0x18400] =	vst v63  }
0x39: {  	s25 =	simm.s32 $0x3400  }
0x3a: {  	[tilespmem:s25], [sflag:$0x1] =	stream.indirect_vreg.gather [hbm4b:s10+s3], $0x80, v2, vm0, $0xb8;
	[tilespmem:$0x18400] =	vst v63  }
0x3b: {  	s26 =	simm.s32 $0x3C00  }
0x3c: {  	[tilespmem:s26], [sflag:$0x1] =	stream.indirect_vreg.gather [hbm4b:s11+s3], $0x80, v2, vm0, $0xb8;
	[tilespmem:$0x18400] =	vst v63  }
0x3d: {  	s29 =	simm.s32 $0x4400  }
0x3e: {  	[tilespmem:s29], [sflag:$0x1] =	stream.indirect_vreg.gather [hbm4b:s12+s3], $0x80, v2, vm0, $0xb8;
	[tilespmem:$0x18400] =	vst v63  }
0x3f: {  	s30 =	simm.s32 $0x4C00  }
0x40: {  	[tilespmem:s30], [sflag:$0x1] =	stream.indirect_vreg.gather [hbm4b:s13+s3], $0x80, v2, vm0, $0xb8;
	[tilespmem:$0x18400] =	vst v63  }
0x41: {  	s31 =	simm.s32 $0x5400  }
0x42: {  	[tilespmem:s31], [sflag:$0x1] =	stream.indirect_vreg.gather [hbm4b:s14+s3], $0x80, v2, vm0, $0xb8;
	[tilespmem:$0x18400] =	vst v63  }
0x43: {  	s25 =	simm.s32 $0x5C00  }
0x44: {  	[tilespmem:s25], [sflag:$0x1] =	stream.indirect_vreg.gather [hbm4b:s15+s3], $0x80, v2, vm0, $0xb8;
	[tilespmem:$0x18400] =	vst v63  }
0x45: {  	s26 =	simm.s32 $0x6400  }
0x46: {  	[tilespmem:s26], [sflag:$0x1] =	stream.indirect_vreg.gather [hbm4b:s16+s3], $0x80, v2, vm0, $0xb8;
	[tilespmem:$0x18400] =	vst v63  }
0x47: {  	s29 =	simm.s32 $0x6C00  }
0x48: {  	[tilespmem:s29], [sflag:$0x1] =	stream.indirect_vreg.gather [hbm4b:s17+s3], $0x80, v2, vm0, $0xb8;
	[tilespmem:$0x18400] =	vst v63  }
0x49: {  	s30 =	simm.s32 $0x7400  }
0x4a: {  	[tilespmem:s30], [sflag:$0x1] =	stream.indirect_vreg.gather [hbm4b:s18+s3], $0x80, v2, vm0, $0xb8;
	[tilespmem:$0x18400] =	vst v63  }
0x4b: {  	s31 =	simm.s32 $0x7C00  }
0x4c: {  	[tilespmem:s31], [sflag:$0x1] =	stream.indirect_vreg.gather [hbm4b:s19+s3], $0x80, v2, vm0, $0xb8;
	[tilespmem:$0x18400] =	vst v63  }
0x4d: {  	v2 =	vld.msk [tilespmem:$0x8], $0xff;
	_ =	sdelay $0x4  }
0x4e: {  	v3 =	vshll.u32 v2, $0x5  }
0x4f: {  	v2 =	vand.u32 $0x7, v2;
	v3 =	vand.u32 $0xFFFFFF00, v3  }
0x50: {  	v2 =	vor.u32 v2, v3  }
0x51: {  	v2 =	vperm.xlane v2, v0;
	_ =	sdelay $0x1  }
0x52: {  	v2 =	vadd.s32 v1, v2;
	_ =	sdelay $0x4  }
0x53: {  	[tilespmem:s28], [sflag:$0x2] =	stream.indirect_vreg.gather [hbm4b:s2+s3], $0x80, v2, vm0, $0xb8;
	[tilespmem:$0x18400] =	vst v63  }
0x54: {  	s25 =	simm.s32 $0x8C00  }
0x55: {  	[tilespmem:s25], [sflag:$0x2] =	stream.indirect_vreg.gather [hbm4b:s5+s3], $0x80, v2, vm0, $0xb8;
	[tilespmem:$0x18400] =	vst v63  }
0x56: {  	s26 =	simm.s32 $0x9400  }
0x57: {  	[tilespmem:s26], [sflag:$0x2] =	stream.indirect_vreg.gather [hbm4b:s6+s3], $0x80, v2, vm0, $0xb8;
	[tilespmem:$0x18400] =	vst v63  }
0x58: {  	s29 =	simm.s32 $0x9C00  }
0x59: {  	[tilespmem:s29], [sflag:$0x2] =	stream.indirect_vreg.gather [hbm4b:s7+s3], $0x80, v2, vm0, $0xb8;
	[tilespmem:$0x18400] =	vst v63  }
0x5a: {  	s30 =	simm.s32 $0xA400  }
0x5b: {  	[tilespmem:s30], [sflag:$0x2] =	stream.indirect_vreg.gather [hbm4b:s8+s3], $0x80, v2, vm0, $0xb8;
	[tilespmem:$0x18400] =	vst v63  }
0x5c: {  	s31 =	simm.s32 $0xAC00  }
0x5d: {  	[tilespmem:s31], [sflag:$0x2] =	stream.indirect_vreg.gather [hbm4b:s9+s3], $0x80, v2, vm0, $0xb8;
	[tilespmem:$0x18400] =	vst v63  }
0x5e: {  	s25 =	simm.s32 $0xB400  }
0x5f: {  	[tilespmem:s25], [sflag:$0x2] =	stream.indirect_vreg.gather [hbm4b:s10+s3], $0x80, v2, vm0, $0xb8;
	[tilespmem:$0x18400] =	vst v63  }
0x60: {  	s26 =	simm.s32 $0xBC00  }
0x61: {  	[tilespmem:s26], [sflag:$0x2] =	stream.indirect_vreg.gather [hbm4b:s11+s3], $0x80, v2, vm0, $0xb8;
	[tilespmem:$0x18400] =	vst v63  }
0x62: {  	s29 =	simm.s32 $0xC400  }
0x63: {  	[tilespmem:s29], [sflag:$0x2] =	stream.indirect_vreg.gather [hbm4b:s12+s3], $0x80, v2, vm0, $0xb8;
	[tilespmem:$0x18400] =	vst v63  }
0x64: {  	s30 =	simm.s32 $0xCC00  }
0x65: {  	[tilespmem:s30], [sflag:$0x2] =	stream.indirect_vreg.gather [hbm4b:s13+s3], $0x80, v2, vm0, $0xb8;
	[tilespmem:$0x18400] =	vst v63  }
0x66: {  	s31 =	simm.s32 $0xD400  }
0x67: {  	[tilespmem:s31], [sflag:$0x2] =	stream.indirect_vreg.gather [hbm4b:s14+s3], $0x80, v2, vm0, $0xb8;
	[tilespmem:$0x18400] =	vst v63  }
0x68: {  	s25 =	simm.s32 $0xDC00  }
0x69: {  	[tilespmem:s25], [sflag:$0x2] =	stream.indirect_vreg.gather [hbm4b:s15+s3], $0x80, v2, vm0, $0xb8;
	[tilespmem:$0x18400] =	vst v63  }
0x6a: {  	s26 =	simm.s32 $0xE400  }
0x6b: {  	[tilespmem:s26], [sflag:$0x2] =	stream.indirect_vreg.gather [hbm4b:s16+s3], $0x80, v2, vm0, $0xb8;
	[tilespmem:$0x18400] =	vst v63  }
0x6c: {  	s29 =	simm.s32 $0xEC00  }
0x6d: {  	[tilespmem:s29], [sflag:$0x2] =	stream.indirect_vreg.gather [hbm4b:s17+s3], $0x80, v2, vm0, $0xb8;
	[tilespmem:$0x18400] =	vst v63  }
0x6e: {  	s30 =	simm.s32 $0xF400  }
0x6f: {  	[tilespmem:s30], [sflag:$0x2] =	stream.indirect_vreg.gather [hbm4b:s18+s3], $0x80, v2, vm0, $0xb8;
	[tilespmem:$0x18400] =	vst v63  }
0x70: {  	s23 =	simm.s32 $0x20;
	s31 =	simm.s32 $0xFC00;
	s25 =	simm.s32 $0x0  }
0x71: {  	[tilespmem:s31], [sflag:$0x2] =	stream.indirect_vreg.gather [hbm4b:s19+s3], $0x80, v2, vm0, $0xb8;
	[tilespmem:$0x18400] =	vst v63  }
.LBB2_2:
0x72: {  	_ =	swait.ge [sflag:s0], $0x8000  }
0x73: {  	p0 =	seq.s32 s25, $0x0;
	s26 =	rddreg [dreg:$0x5];
	[sflag:s0] =	ssyncset.done $0x0  }
0x74: {  	s29 =	simm.s32 @!p0 $0x6;
	[sflag:s0] =	ssyncadd.s32 $0xFFFF8000;
	s26 =	sadd.s32 s25, s26  }
0x75: {  	[hbm4b:s26+s3] =	stream.linear.scatter [tilespmem:s24], [sflag:$0x4], $0x8000, $0x38;
	[tilespmem:$0x18400] =	vst v63  }
0x76: {  	_ =	swait.ge @!p0 [sflag:s29], $0x8000  }
0x77: {  	[sflag:s29] =	ssyncset.done @!p0 $0x0  }
0x78: {  	[sflag:s29] =	ssyncadd.s32 @!p0 $0xFFFF8000  }
0x79: {  	v2 =	vld.msk [tilespmem:s23+$0xFFFFFFF0], $0xff;
	_ =	sdelay $0x4  }
0x7a: {  	v3 =	vshll.u32 v2, $0x5  }
0x7b: {  	v2 =	vand.u32 $0x7, v2;
	v3 =	vand.u32 $0xFFFFFF00, v3  }
0x7c: {  	v2 =	vor.u32 v2, v3  }
0x7d: {  	v2 =	vperm.xlane v2, v0;
	_ =	sdelay $0x1  }
0x7e: {  	v2 =	vadd.s32 v1, v2;
	_ =	sdelay $0x4  }
0x7f: {  	[tilespmem:s1], [sflag:$0x3] =	stream.indirect_vreg.gather [hbm4b:s2+s3], $0x80, v2, vm0, $0xb8;
	[tilespmem:$0x18400] =	vst v63  }
0x80: {  	s29 =	rddreg [dreg:$0x6]  }
0x81: {  	[tilespmem:s29], [sflag:$0x3] =	stream.indirect_vreg.gather [hbm4b:s5+s3], $0x80, v2, vm0, $0xb8;
	[tilespmem:$0x18400] =	vst v63  }
0x82: {  	s30 =	rddreg [dreg:$0x7]  }
0x83: {  	[tilespmem:s30], [sflag:$0x3] =	stream.indirect_vreg.gather [hbm4b:s6+s3], $0x80, v2, vm0, $0xb8;
	[tilespmem:$0x18400] =	vst v63  }
0x84: {  	s29 =	rddreg [dreg:$0x8]  }
0x85: {  	[tilespmem:s29], [sflag:$0x3] =	stream.indirect_vreg.gather [hbm4b:s7+s3], $0x80, v2, vm0, $0xb8;
	[tilespmem:$0x18400] =	vst v63  }
0x86: {  	s30 =	rddreg [dreg:$0x9]  }
0x87: {  	[tilespmem:s30], [sflag:$0x3] =	stream.indirect_vreg.gather [hbm4b:s8+s3], $0x80, v2, vm0, $0xb8;
	[tilespmem:$0x18400] =	vst v63  }
0x88: {  	s29 =	rddreg [dreg:$0xa]  }
0x89: {  	[tilespmem:s29], [sflag:$0x3] =	stream.indirect_vreg.gather [hbm4b:s9+s3], $0x80, v2, vm0, $0xb8;
	[tilespmem:$0x18400] =	vst v63  }
0x8a: {  	s30 =	rddreg [dreg:$0xb]  }
0x8b: {  	[tilespmem:s30], [sflag:$0x3] =	stream.indirect_vreg.gather [hbm4b:s10+s3], $0x80, v2, vm0, $0xb8;
	[tilespmem:$0x18400] =	vst v63  }
0x8c: {  	s29 =	rddreg [dreg:$0xc]  }
0x8d: {  	[tilespmem:s29], [sflag:$0x3] =	stream.indirect_vreg.gather [hbm4b:s11+s3], $0x80, v2, vm0, $0xb8;
	[tilespmem:$0x18400] =	vst v63  }
0x8e: {  	s30 =	rddreg [dreg:$0xd]  }
0x8f: {  	[tilespmem:s30], [sflag:$0x3] =	stream.indirect_vreg.gather [hbm4b:s12+s3], $0x80, v2, vm0, $0xb8;
	[tilespmem:$0x18400] =	vst v63  }
0x90: {  	s29 =	rddreg [dreg:$0xe]  }
0x91: {  	[tilespmem:s29], [sflag:$0x3] =	stream.indirect_vreg.gather [hbm4b:s13+s3], $0x80, v2, vm0, $0xb8;
	[tilespmem:$0x18400] =	vst v63  }
0x92: {  	s30 =	rddreg [dreg:$0xf]  }
0x93: {  	[tilespmem:s30], [sflag:$0x3] =	stream.indirect_vreg.gather [hbm4b:s14+s3], $0x80, v2, vm0, $0xb8;
	[tilespmem:$0x18400] =	vst v63  }
0x94: {  	s29 =	rddreg [dreg:$0x10]  }
0x95: {  	[tilespmem:s29], [sflag:$0x3] =	stream.indirect_vreg.gather [hbm4b:s15+s3], $0x80, v2, vm0, $0xb8;
	[tilespmem:$0x18400] =	vst v63  }
0x96: {  	s30 =	rddreg [dreg:$0x11]  }
0x97: {  	[tilespmem:s30], [sflag:$0x3] =	stream.indirect_vreg.gather [hbm4b:s16+s3], $0x80, v2, vm0, $0xb8;
	[tilespmem:$0x18400] =	vst v63  }
0x98: {  	s29 =	rddreg [dreg:$0x12]  }
0x99: {  	[tilespmem:s29], [sflag:$0x3] =	stream.indirect_vreg.gather [hbm4b:s17+s3], $0x80, v2, vm0, $0xb8;
	[tilespmem:$0x18400] =	vst v63  }
0x9a: {  	s30 =	rddreg [dreg:$0x13]  }
0x9b: {  	[tilespmem:s30], [sflag:$0x3] =	stream.indirect_vreg.gather [hbm4b:s18+s3], $0x80, v2, vm0, $0xb8;
	[tilespmem:$0x18400] =	vst v63  }
0x9c: {  	s29 =	rddreg [dreg:$0x14]  }
0x9d: {  	[tilespmem:s29], [sflag:$0x3] =	stream.indirect_vreg.gather [hbm4b:s19+s3], $0x80, v2, vm0, $0xb8;
	[tilespmem:$0x18400] =	vst v63  }
0x9e: {  	_ =	swait.ge [sflag:s4], $0x8000  }
0x9f: {  	s29 =	rddreg [dreg:$0x4];
	[sflag:s4] =	ssyncset.done $0x0  }
0xa0: {  	[sflag:s4] =	ssyncadd.s32 $0xFFFF8000;
	s29 =	sadd.s32 s25, s29  }
0xa1: {  	[hbm4b:s29+s3] =	stream.linear.scatter [tilespmem:s28], [sflag:$0x5], $0x8000, $0x38;
	[tilespmem:$0x18400] =	vst v63  }
0xa2: {  	_ =	swait.ge [sflag:s20], $0x8000  }
0xa3: {  	[sflag:s20] =	ssyncset.done $0x0  }
0xa4: {  	[sflag:s20] =	ssyncadd.s32 $0xFFFF8000  }
0xa5: {  	v2 =	vld.msk [tilespmem:s23+$0xFFFFFFF8], $0xff;
	_ =	sdelay $0x4  }
0xa6: {  	v3 =	vshll.u32 v2, $0x5  }
0xa7: {  	v2 =	vand.u32 $0x7, v2;
	v3 =	vand.u32 $0xFFFFFF00, v3  }
0xa8: {  	v2 =	vor.u32 v2, v3  }
0xa9: {  	v2 =	vperm.xlane v2, v0;
	_ =	sdelay $0x1  }
0xaa: {  	v2 =	vadd.s32 v1, v2;
	_ =	sdelay $0x4  }
0xab: {  	[tilespmem:s24], [sflag:$0x1] =	stream.indirect_vreg.gather [hbm4b:s2+s3], $0x80, v2, vm0, $0xb8;
	[tilespmem:$0x18400] =	vst v63  }
0xac: {  	s29 =	simm.s32 $0xC00  }
0xad: {  	[tilespmem:s29], [sflag:$0x1] =	stream.indirect_vreg.gather [hbm4b:s5+s3], $0x80, v2, vm0, $0xb8;
	[tilespmem:$0x18400] =	vst v63  }
0xae: {  	s30 =	simm.s32 $0x1400  }
0xaf: {  	[tilespmem:s30], [sflag:$0x1] =	stream.indirect_vreg.gather [hbm4b:s6+s3], $0x80, v2, vm0, $0xb8;
	[tilespmem:$0x18400] =	vst v63  }
0xb0: {  	s31 =	simm.s32 $0x1C00  }
0xb1: {  	[tilespmem:s31], [sflag:$0x1] =	stream.indirect_vreg.gather [hbm4b:s7+s3], $0x80, v2, vm0, $0xb8;
	[tilespmem:$0x18400] =	vst v63  }
0xb2: {  	s31 =	simm.s32 $0x2400  }
0xb3: {  	[tilespmem:s31], [sflag:$0x1] =	stream.indirect_vreg.gather [hbm4b:s8+s3], $0x80, v2, vm0, $0xb8;
	[tilespmem:$0x18400] =	vst v63  }
0xb4: {  	s31 =	simm.s32 $0x2C00  }
0xb5: {  	[tilespmem:s31], [sflag:$0x1] =	stream.indirect_vreg.gather [hbm4b:s9+s3], $0x80, v2, vm0, $0xb8;
	[tilespmem:$0x18400] =	vst v63  }
0xb6: {  	s31 =	simm.s32 $0x3400  }
0xb7: {  	[tilespmem:s31], [sflag:$0x1] =	stream.indirect_vreg.gather [hbm4b:s10+s3], $0x80, v2, vm0, $0xb8;
	[tilespmem:$0x18400] =	vst v63  }
0xb8: {  	s31 =	simm.s32 $0x3C00  }
0xb9: {  	[tilespmem:s31], [sflag:$0x1] =	stream.indirect_vreg.gather [hbm4b:s11+s3], $0x80, v2, vm0, $0xb8;
	[tilespmem:$0x18400] =	vst v63  }
0xba: {  	s31 =	simm.s32 $0x4400  }
0xbb: {  	[tilespmem:s31], [sflag:$0x1] =	stream.indirect_vreg.gather [hbm4b:s12+s3], $0x80, v2, vm0, $0xb8;
	[tilespmem:$0x18400] =	vst v63  }
0xbc: {  	s31 =	simm.s32 $0x4C00  }
0xbd: {  	[tilespmem:s31], [sflag:$0x1] =	stream.indirect_vreg.gather [hbm4b:s13+s3], $0x80, v2, vm0, $0xb8;
	[tilespmem:$0x18400] =	vst v63  }
0xbe: {  	s31 =	simm.s32 $0x5400  }
0xbf: {  	[tilespmem:s31], [sflag:$0x1] =	stream.indirect_vreg.gather [hbm4b:s14+s3], $0x80, v2, vm0, $0xb8;
	[tilespmem:$0x18400] =	vst v63  }
0xc0: {  	s31 =	simm.s32 $0x5C00  }
0xc1: {  	[tilespmem:s31], [sflag:$0x1] =	stream.indirect_vreg.gather [hbm4b:s15+s3], $0x80, v2, vm0, $0xb8;
	[tilespmem:$0x18400] =	vst v63  }
0xc2: {  	s31 =	simm.s32 $0x6400  }
0xc3: {  	[tilespmem:s31], [sflag:$0x1] =	stream.indirect_vreg.gather [hbm4b:s16+s3], $0x80, v2, vm0, $0xb8;
	[tilespmem:$0x18400] =	vst v63  }
0xc4: {  	s31 =	simm.s32 $0x6C00  }
0xc5: {  	[tilespmem:s31], [sflag:$0x1] =	stream.indirect_vreg.gather [hbm4b:s17+s3], $0x80, v2, vm0, $0xb8;
	[tilespmem:$0x18400] =	vst v63  }
0xc6: {  	s31 =	simm.s32 $0x7400  }
0xc7: {  	[tilespmem:s31], [sflag:$0x1] =	stream.indirect_vreg.gather [hbm4b:s18+s3], $0x80, v2, vm0, $0xb8;
	[tilespmem:$0x18400] =	vst v63  }
0xc8: {  	s31 =	simm.s32 $0x7C00  }
0xc9: {  	[tilespmem:s31], [sflag:$0x1] =	stream.indirect_vreg.gather [hbm4b:s19+s3], $0x80, v2, vm0, $0xb8;
	[tilespmem:$0x18400] =	vst v63  }
0xca: {  	_ =	swait.ge [sflag:s21], $0x8000  }
0xcb: {  	[sflag:s21] =	ssyncset.done $0x0  }
0xcc: {  	s26 =	sadd.s32 $0x2000, s26;
	[sflag:s21] =	ssyncadd.s32 $0xFFFF8000  }
0xcd: {  	[hbm4b:s26+s3] =	stream.linear.scatter [tilespmem:s1], [sflag:$0x6], $0x8000, $0x38;
	[tilespmem:$0x18400] =	vst v63  }
0xce: {  	_ =	swait.ge [sflag:s22], $0x8000  }
0xcf: {  	[sflag:s22] =	ssyncset.done $0x0  }
0xd0: {  	[sflag:s22] =	ssyncadd.s32 $0xFFFF8000  }
0xd1: {  	v2 =	vld.msk [tilespmem:s23+$0x0], $0xff;
	_ =	sdelay $0x4  }
0xd2: {  	v3 =	vshll.u32 v2, $0x5  }
0xd3: {  	v2 =	vand.u32 $0x7, v2;
	v3 =	vand.u32 $0xFFFFFF00, v3  }
0xd4: {  	v2 =	vor.u32 v2, v3  }
0xd5: {  	v2 =	vperm.xlane v2, v0;
	_ =	sdelay $0x1  }
0xd6: {  	v2 =	vadd.s32 v1, v2;
	_ =	sdelay $0x4  }
0xd7: {  	[tilespmem:s28], [sflag:$0x2] =	stream.indirect_vreg.gather [hbm4b:s2+s3], $0x80, v2, vm0, $0xb8;
	[tilespmem:$0x18400] =	vst v63  }
0xd8: {  	s31 =	simm.s32 $0x8C00  }
0xd9: {  	[tilespmem:s31], [sflag:$0x2] =	stream.indirect_vreg.gather [hbm4b:s5+s3], $0x80, v2, vm0, $0xb8;
	[tilespmem:$0x18400] =	vst v63  }
0xda: {  	s31 =	simm.s32 $0x9400  }
0xdb: {  	[tilespmem:s31], [sflag:$0x2] =	stream.indirect_vreg.gather [hbm4b:s6+s3], $0x80, v2, vm0, $0xb8;
	[tilespmem:$0x18400] =	vst v63  }
0xdc: {  	s31 =	simm.s32 $0x9C00  }
0xdd: {  	[tilespmem:s31], [sflag:$0x2] =	stream.indirect_vreg.gather [hbm4b:s7+s3], $0x80, v2, vm0, $0xb8;
	[tilespmem:$0x18400] =	vst v63  }
0xde: {  	s31 =	simm.s32 $0xA400  }
0xdf: {  	[tilespmem:s31], [sflag:$0x2] =	stream.indirect_vreg.gather [hbm4b:s8+s3], $0x80, v2, vm0, $0xb8;
	[tilespmem:$0x18400] =	vst v63  }
0xe0: {  	s31 =	simm.s32 $0xAC00  }
0xe1: {  	[tilespmem:s31], [sflag:$0x2] =	stream.indirect_vreg.gather [hbm4b:s9+s3], $0x80, v2, vm0, $0xb8;
	[tilespmem:$0x18400] =	vst v63  }
0xe2: {  	s31 =	simm.s32 $0xB400  }
0xe3: {  	[tilespmem:s31], [sflag:$0x2] =	stream.indirect_vreg.gather [hbm4b:s10+s3], $0x80, v2, vm0, $0xb8;
	[tilespmem:$0x18400] =	vst v63  }
0xe4: {  	s31 =	simm.s32 $0xBC00  }
0xe5: {  	[tilespmem:s31], [sflag:$0x2] =	stream.indirect_vreg.gather [hbm4b:s11+s3], $0x80, v2, vm0, $0xb8;
	[tilespmem:$0x18400] =	vst v63  }
0xe6: {  	s31 =	simm.s32 $0xC400  }
0xe7: {  	[tilespmem:s31], [sflag:$0x2] =	stream.indirect_vreg.gather [hbm4b:s12+s3], $0x80, v2, vm0, $0xb8;
	[tilespmem:$0x18400] =	vst v63  }
0xe8: {  	s31 =	simm.s32 $0xCC00  }
0xe9: {  	[tilespmem:s31], [sflag:$0x2] =	stream.indirect_vreg.gather [hbm4b:s13+s3], $0x80, v2, vm0, $0xb8;
	[tilespmem:$0x18400] =	vst v63  }
0xea: {  	s31 =	simm.s32 $0xD400  }
0xeb: {  	[tilespmem:s31], [sflag:$0x2] =	stream.indirect_vreg.gather [hbm4b:s14+s3], $0x80, v2, vm0, $0xb8;
	[tilespmem:$0x18400] =	vst v63  }
0xec: {  	s31 =	simm.s32 $0xDC00  }
0xed: {  	[tilespmem:s31], [sflag:$0x2] =	stream.indirect_vreg.gather [hbm4b:s15+s3], $0x80, v2, vm0, $0xb8;
	[tilespmem:$0x18400] =	vst v63  }
0xee: {  	s25 =	sadd.s32 $0x3000, s25;
	s31 =	simm.s32 $0xE400  }
0xef: {  	[tilespmem:s31], [sflag:$0x2] =	stream.indirect_vreg.gather [hbm4b:s16+s3], $0x80, v2, vm0, $0xb8;
	[tilespmem:$0x18400] =	vst v63  }
0xf0: {  	p0 =	sne.s32 s25, $0x7E000;
	s31 =	simm.s32 $0xEC00  }
0xf1: {  	[tilespmem:s31], [sflag:$0x2] =	stream.indirect_vreg.gather [hbm4b:s17+s3], $0x80, v2, vm0, $0xb8;
	[tilespmem:$0x18400] =	vst v63  }
.Ltmp0:
0xf2: {  	_ = 	snop;
	(pc) =	sbr.rel @p0 .LBB2_2-.Ltmp0, $4  }
0xf3: {  	s31 =	simm.s32 $0xF400  }
0xf4: {  	[tilespmem:s31], [sflag:$0x2] =	stream.indirect_vreg.gather [hbm4b:s18+s3], $0x80, v2, vm0, $0xb8;
	[tilespmem:$0x18400] =	vst v63  }
0xf5: {  	s23 =	sadd.s32 $0x18, s23;
	s31 =	simm.s32 $0xFC00  }
0xf6: {  	[tilespmem:s31], [sflag:$0x2] =	stream.indirect_vreg.gather [hbm4b:s19+s3], $0x80, v2, vm0, $0xb8;
	[tilespmem:$0x18400] =	vst v63  }
0xf7: {  	_ =	swait.ge [sflag:s0], $0x8000  }
0xf8: {  	[sflag:s0] =	ssyncset.done $0x0  }
0xf9: {  	s26 =	simm.s32 $0x6;
	s23 =	rddreg [dreg:$0x16];
	[sflag:s0] =	ssyncadd.s32 $0xFFFF8000  }
0xfa: {  	[hbm4b:s23+s3] =	stream.linear.scatter [tilespmem:s24], [sflag:$0x4], $0x8000, $0x38;
	[tilespmem:$0x18400] =	vst v63  }
0xfb: {  	_ =	swait.ge [sflag:s26], $0x8000  }
0xfc: {  	[sflag:s26] =	ssyncset.done $0x0  }
0xfd: {  	[sflag:s26] =	ssyncadd.s32 $0xFFFF8000  }
0xfe: {  	_ =	swait.ge [sflag:s4], $0x8000  }
0xff: {  	[sflag:s4] =	ssyncset.done $0x0  }
0x100: {  	s25 =	rddreg [dreg:$0x17];
	[sflag:s4] =	ssyncadd.s32 $0xFFFF8000  }
0x101: {  	[hbm4b:s25+s3] =	stream.linear.scatter [tilespmem:s28], [sflag:$0x5], $0x8000, $0x38;
	[tilespmem:$0x18400] =	vst v63  }
0x102: {  	_ =	swait.ge [sflag:s20], $0x8000  }
0x103: {  	[sflag:s20] =	ssyncset.done $0x0  }
0x104: {  	[sflag:s20] =	ssyncadd.s32 $0xFFFF8000  }
0x105: {  	_ =	swait.ge [sflag:s22], $0x8000  }
0x106: {  	s25 =	rddreg [dreg:$0x19]  }
0x107: {  	s26 =	rddreg [dreg:$0x18];
	s25 =	sadd.s32 $0x1, s25  }
0x108: {  	p0 =	sne.s32 s25, s26  }
.Ltmp1:
0x109: {  	_ = 	snop;
	(pc) =	sbr.rel @p0 .LBB2_1-.Ltmp1, $4  }
0x10a: {  	_ = 	snop  }
0x10b: {  	[sflag:s22] =	ssyncset.done $0x0  }
0x10c: {  	s31 =	simm.s32 $0x2C00;
	[sflag:s22] =	ssyncadd.s32 $0xFFFF8000  }
0x10d: {  	[dreg:$0x19] =	wrdreg s25;
	s25 =	simm.s32 $0x1C00;
	s26 =	simm.s32 $0x2400  }
0x10e: {  	_ =	sfence.sel $0x180000  }
0x10f: {  	[bflag:$0x0] =	sbarrier.arrive $0xFFFF  }
0x110: {  	_ =	strace $0x90000047  }
0x111: {  	s0 =	stileid.u32;
	[bflag:$0x2] =	sbarrier.arrive $0xFFFF  }
0x112: {  	p0 =	sne.s32 s0, $0x0;
	s0 =	rddreg [dreg:$0x3]  }
0x113: {  	s0 =	sadd.s32 @!p0 $0x100000, s0  }
0x114: {  	[sflag:s0] =	ssyncadd.tile.s32 @!p0 $0x1;
	_ =	shalt  }
.Lfunc_end2:
_tile_overlayer_lowered:
.L_overlay_start_2:
0x115: {  	(tag) =	ssettag $0x2  }
0x116: {  	s0 =	rddreg [dreg:$0x0];
	s2 =	stileid.u32  }
0x117: {  	s1 =	rddreg [dreg:$0x1];
	p0 =	sne.s32 s2, $0x0  }
0x118: {  	s3 =	rddreg [dreg:$0x2];
	[bflag:$0x3] =	sbarrier.arrive $0xFFFF;
	s2 =	simm.s32 @!p0 $0x1C07  }
0x119: {  	[timem:s3], [sflag:s2] =	dma.local @!p0 [hbm:s0], s1  }
0x11a: {  	s0 =	simm.s32 @!p0 $0x7  }
0x11b: {  	_ =	swait.ge @!p0 [sflag:s0], s1  }
0x11c: {  	s1 =	ssub.s32 @!p0 $0x0, s1;
	[sflag:s0] =	ssyncset.done @!p0 $0x0  }
0x11d: {  	[sflag:s0] =	ssyncadd.s32 @!p0 s1  }
0x11e: {  	[bflag:$0x3] =	sbarrier.arrive $0xFFFF  }
0x11f: {  	_ =	shalt  }

</sc_bundles>
